<compile_context>
chip_gen: v7x
topology: tpu7x:2x2x1
jax: 0.10.2.dev20260603
libtpu: 0.0.44.dev20260713+nightly
codegen_flags: <defaults>
</compile_context>

<pallas_src>
import functools

import jax
import jax.numpy as jnp
from jax import lax
from jax.experimental import pallas as pl
from jax.experimental.pallas import tpu as pltpu
from jax.experimental.pallas import tpu_sc as plsc

GRID_H = 1024
GRID_W = 1024
NUM_COLORS = 10
D_MODEL = 128

NC = 2
NS = 16
NW = NC * NS
NPT = (GRID_H * GRID_W) // NW
LANES = 16
CSLOTS = 16
HIST = CSLOTS * LANES
NREG = 8
HISTT = NREG * HIST
UNROLL = 8


ROWS_PT = GRID_H // NW
NCH = 2
CROWS = ROWS_PT // NCH
GPC = CROWS * GRID_W // LANES


def _sc_hist_body(grid_hbm, out_hbm, buf_v, hist_v, sem0, sem1):
    wid = lax.axis_index("c") * NS + lax.axis_index("s")
    rbase = wid * ROWS_PT
    sems = (sem0, sem1)

    copies = [None] * NCH
    copies[0] = pltpu.async_copy(
        grid_hbm.at[pl.ds(rbase, CROWS)], buf_v.at[pl.ds(0, CROWS)], sem0)

    zero16 = jnp.zeros((LANES,), jnp.float32)
    for i in range(HISTT // LANES):
        hist_v[pl.ds(i * LANES, LANES)] = zero16

    lane = lax.iota(jnp.int32, LANES)
    ones = jnp.ones((LANES,), jnp.float32)

    for k in range(NCH):
        if k + 1 < NCH:
            copies[k + 1] = pltpu.async_copy(
                grid_hbm.at[pl.ds(rbase + (k + 1) * CROWS, CROWS)],
                buf_v.at[pl.ds(((k + 1) % 2) * CROWS, CROWS)],
                sems[(k + 1) % 2])
        copies[k].wait()
        row0 = (k % 2) * CROWS

        @plsc.parallel_loop(0, GPC, unroll=UNROLL)
        def _(i):
            v = buf_v[row0 + (i >> 6), pl.ds((i & 63) * LANES, LANES)]
            region = (i & (NREG - 1)) << 8
            idx = v * LANES + lane + region
            plsc.addupdate_scatter(hist_v, [idx], ones)

    pltpu.sync_copy(hist_v, out_hbm.at[wid])


@functools.cache
def _sc_hist():
    return functools.partial(
        pl.kernel,
        mesh=plsc.VectorSubcoreMesh(core_axis_name="c", subcore_axis_name="s"),
        out_type=jax.ShapeDtypeStruct((NW, HISTT), jnp.float32),
        scratch_types=[
            pltpu.VMEM((2 * CROWS, GRID_W), jnp.int32),
            pltpu.VMEM((HISTT,), jnp.float32),
            pltpu.SemaphoreType.DMA,
            pltpu.SemaphoreType.DMA,
        ],
        compiler_params=pltpu.CompilerParams(needs_layout_passes=False),
    )(_sc_hist_body)


def _proj_body(h_ref, emb_ref, W_ref, b_ref, o_ref):
    hs = jnp.sum(h_ref[:], axis=0, keepdims=True)
    k_idx = lax.broadcasted_iota(jnp.int32, (HISTT, CSLOTS), 0)
    v_idx = lax.broadcasted_iota(jnp.int32, (HISTT, CSLOTS), 1)
    sel = jnp.where(((k_idx >> 4) & (CSLOTS - 1)) == v_idx, 1.0, 0.0)
    c16 = jnp.dot(hs, sel, preferred_element_type=jnp.float32)
    x = jnp.dot(c16[:, :NUM_COLORS], emb_ref[:],
                preferred_element_type=jnp.float32)
    x = x * (1.0 / (GRID_H * GRID_W))
    y = lax.dot_general(x, W_ref[:], (((1,), (1,)), ((), ())),
                        preferred_element_type=jnp.float32)
    o_ref[:] = y + b_ref[:]


@jax.jit
def kernel(grid, emb, W, b):
    hist = _sc_hist()(grid.astype(jnp.int32))

    out = pl.pallas_call(
        _proj_body,
        out_shape=jax.ShapeDtypeStruct((1, D_MODEL), jnp.float32),
    )(hist, emb, W, b)
    return out.reshape(D_MODEL)

# --- scband reference (transcript-rebuilt; emitter-appended) ---
"""Pipeline reference for scband-grid-encoder-28114855920228 (READ-ONLY COPY).

The authoritative reference and input builder live on the scoring server;
editing this copy changes nothing except your own understanding.
"""

import jax, jax.numpy as jnp
import numpy as np

NUM_COLORS = 10
D_MODEL = 128
GRID_H = 1024
GRID_W = 1024

def setup_inputs(seed: int = 0) -> dict:
    key = jax.random.key(seed)
    k1, k2, k3 = jax.random.split(key, 3)
    grid = jax.random.randint(k1, (GRID_H, GRID_W), 0, NUM_COLORS, dtype=jnp.int64)
    emb = jax.random.normal(k2, (NUM_COLORS, D_MODEL), dtype=jnp.float32) * 0.02
    W = jax.random.normal(k3, (D_MODEL, D_MODEL), dtype=jnp.float32) * 0.02
    b = jnp.zeros((D_MODEL,), dtype=jnp.float32)
    return {"grid": grid, "emb": emb, "W": W, "b": b}

def reference(grid, emb, W, b):
    # x = self.emb(grid.long())  -> gather rows of embedding table
    x = jnp.take(emb, grid, axis=0)          # [H, W, d_model]
    # x = x.mean(dim=(0, 1))
    x = x.mean(axis=(0, 1))                  # [d_model]
    # self.proj(x): nn.Linear -> x @ W.T + b
    return x @ W.T + b

if __name__ == "__main__":
    import jax
    _d = setup_inputs()
    print(jax.jit(kernel)(*tuple(_d.values())))

</pallas_src>

<mosaic_0001>
#map = affine_map<(d0, d1) -> (0, 0)>
module attributes {stable_mosaic.version = 14 : i64} {
  func.func @_sc_hist_body(%arg0: i32, %arg1: i32, %arg2: memref<1024x1024xi32, #tpu.memory_space<hbm>>, %arg3: memref<32x2048xf32, #tpu.memory_space<hbm>>, %arg4: memref<32x1024xi32, #tpu.memory_space<vmem>>, %arg5: memref<2048xf32, #tpu.memory_space<vmem>>, %arg6: memref<!tpu.dma_semaphore, #tpu.memory_space<semaphore_mem>>, %arg7: memref<!tpu.dma_semaphore, #tpu.memory_space<semaphore_mem>>) attributes {dimension_semantics = [#tpu.dimension_semantics<core_parallel>, #tpu.dimension_semantics<subcore_parallel>], iteration_bounds = array<i64: 2, 16>, scalar_prefetch = 0 : i64, scratch_operands = 4 : i64, tpu.core_type = #tpu.core_type<sc_vector_subcore>, window_params = [{transform_indices = #map}, {transform_indices = #map}]} {
    %mul3A = arith.constant 16 : i32
    %mul3A_0 = arith.muli %arg0, %mul3A : i32
    %add3A = arith.addi %mul3A_0, %arg1 : i32
    %mul3A_1 = arith.constant 32 : i32
    %mul3A_2 = arith.muli %add3A, %mul3A_1 : i32
    %dma_start3A = arith.constant 0 : i32
    %dma_start3A_3 = arith.constant 0 : i32
    %dma_start3A_4 = tpu.memref_slice %arg4[%dma_start3A, %dma_start3A_3] : memref<32x1024xi32, #tpu.memory_space<vmem>> -> memref<16x1024xi32, #tpu.memory_space<vmem>>
    %dma_start3A_5 = arith.constant 0 : i32
    %dma_start3A_6 = tpu.memref_slice %arg2[%mul3A_2, %dma_start3A_5] : memref<1024x1024xi32, #tpu.memory_space<hbm>> -> memref<16x1024xi32, #tpu.memory_space<hbm>>
    %dma_start3A_7 = arith.constant 0 : i32
    %dma_start3A_8 = arith.constant 0 : i32
    %dma_start3A_9 = tpu.memref_slice %arg4[%dma_start3A_7, %dma_start3A_8] : memref<32x1024xi32, #tpu.memory_space<vmem>> -> memref<16x1024xi32, #tpu.memory_space<vmem>>
    %dma_start3A_10 = arith.constant 0 : i32
    %dma_start3A_11 = tpu.memref_slice %arg2[%mul3A_2, %dma_start3A_10] : memref<1024x1024xi32, #tpu.memory_space<hbm>> -> memref<16x1024xi32, #tpu.memory_space<hbm>>
    tpu.enqueue_dma source(%dma_start3A_11 : memref<16x1024xi32, #tpu.memory_space<hbm>>) target(%dma_start3A_9 : memref<16x1024xi32, #tpu.memory_space<vmem>>) target_semaphore(%arg6 : memref<!tpu.dma_semaphore, #tpu.memory_space<semaphore_mem>>)
    %broadcast_in_dim3A = arith.constant 0.000000e+00 : f32
    %broadcast_in_dim3A_12 = vector.broadcast %broadcast_in_dim3A : f32 to vector<16xf32>
    %swap3A = arith.constant 0 : index
    %swap3A_13 = tpu.vector_load %arg5[%swap3A] {strides = array<i32>} : memref<2048xf32, #tpu.memory_space<vmem>>, vector<16xf32>,
    tpu.vector_store %arg5[%swap3A], %broadcast_in_dim3A_12 {strides = array<i32>} : memref<2048xf32, #tpu.memory_space<vmem>>, vector<16xf32>,
    %swap3A_14 = arith.constant 16 : index
    %swap3A_15 = tpu.vector_load %arg5[%swap3A_14] {strides = array<i32>} : memref<2048xf32, #tpu.memory_space<vmem>>, vector<16xf32>,
    tpu.vector_store %arg5[%swap3A_14], %broadcast_in_dim3A_12 {strides = array<i32>} : memref<2048xf32, #tpu.memory_space<vmem>>, vector<16xf32>,
    %swap3A_16 = arith.constant 32 : index
    %swap3A_17 = tpu.vector_load %arg5[%swap3A_16] {strides = array<i32>} : memref<2048xf32, #tpu.memory_space<vmem>>, vector<16xf32>,
    tpu.vector_store %arg5[%swap3A_16], %broadcast_in_dim3A_12 {strides = array<i32>} : memref<2048xf32, #tpu.memory_space<vmem>>, vector<16xf32>,
    %swap3A_18 = arith.constant 48 : index
    %swap3A_19 = tpu.vector_load %arg5[%swap3A_18] {strides = array<i32>} : memref<2048xf32, #tpu.memory_space<vmem>>, vector<16xf32>,
    tpu.vector_store %arg5[%swap3A_18], %broadcast_in_dim3A_12 {strides = array<i32>} : memref<2048xf32, #tpu.memory_space<vmem>>, vector<16xf32>,
    %swap3A_20 = arith.constant 64 : index
    %swap3A_21 = tpu.vector_load %arg5[%swap3A_20] {strides = array<i32>} : memref<2048xf32, #tpu.memory_space<vmem>>, vector<16xf32>,
    tpu.vector_store %arg5[%swap3A_20], %broadcast_in_dim3A_12 {strides = array<i32>} : memref<2048xf32, #tpu.memory_space<vmem>>, vector<16xf32>,
    %swap3A_22 = arith.constant 80 : index
    %swap3A_23 = tpu.vector_load %arg5[%swap3A_22] {strides = array<i32>} : memref<2048xf32, #tpu.memory_space<vmem>>, vector<16xf32>,
    tpu.vector_store %arg5[%swap3A_22], %broadcast_in_dim3A_12 {strides = array<i32>} : memref<2048xf32, #tpu.memory_space<vmem>>, vector<16xf32>,
    %swap3A_24 = arith.constant 96 : index
    %swap3A_25 = tpu.vector_load %arg5[%swap3A_24] {strides = array<i32>} : memref<2048xf32, #tpu.memory_space<vmem>>, vector<16xf32>,
    tpu.vector_store %arg5[%swap3A_24], %broadcast_in_dim3A_12 {strides = array<i32>} : memref<2048xf32, #tpu.memory_space<vmem>>, vector<16xf32>,
    %swap3A_26 = arith.constant 112 : index
    %swap3A_27 = tpu.vector_load %arg5[%swap3A_26] {strides = array<i32>} : memref<2048xf32, #tpu.memory_space<vmem>>, vector<16xf32>,
    tpu.vector_store %arg5[%swap3A_26], %broadcast_in_dim3A_12 {strides = array<i32>} : memref<2048xf32, #tpu.memory_space<vmem>>, vector<16xf32>,
    %swap3A_28 = arith.constant 128 : index
    %swap3A_29 = tpu.vector_load %arg5[%swap3A_28] {strides = array<i32>} : memref<2048xf32, #tpu.memory_space<vmem>>, vector<16xf32>,
    tpu.vector_store %arg5[%swap3A_28], %broadcast_in_dim3A_12 {strides = array<i32>} : memref<2048xf32, #tpu.memory_space<vmem>>, vector<16xf32>,
    %swap3A_30 = arith.constant 144 : index
    %swap3A_31 = tpu.vector_load %arg5[%swap3A_30] {strides = array<i32>} : memref<2048xf32, #tpu.memory_space<vmem>>, vector<16xf32>,
    tpu.vector_store %arg5[%swap3A_30], %broadcast_in_dim3A_12 {strides = array<i32>} : memref<2048xf32, #tpu.memory_space<vmem>>, vector<16xf32>,
    %swap3A_32 = arith.constant 160 : index
    %swap3A_33 = tpu.vector_load %arg5[%swap3A_32] {strides = array<i32>} : memref<2048xf32, #tpu.memory_space<vmem>>, vector<16xf32>,
    tpu.vector_store %arg5[%swap3A_32], %broadcast_in_dim3A_12 {strides = array<i32>} : memref<2048xf32, #tpu.memory_space<vmem>>, vector<16xf32>,
    %swap3A_34 = arith.constant 176 : index
    %swap3A_35 = tpu.vector_load %arg5[%swap3A_34] {strides = array<i32>} : memref<2048xf32, #tpu.memory_space<vmem>>, vector<16xf32>,
    tpu.vector_store %arg5[%swap3A_34], %broadcast_in_dim3A_12 {strides = array<i32>} : memref<2048xf32, #tpu.memory_space<vmem>>, vector<16xf32>,
    %swap3A_36 = arith.constant 192 : index
    %swap3A_37 = tpu.vector_load %arg5[%swap3A_36] {strides = array<i32>} : memref<2048xf32, #tpu.memory_space<vmem>>, vector<16xf32>,
    tpu.vector_store %arg5[%swap3A_36], %broadcast_in_dim3A_12 {strides = array<i32>} : memref<2048xf32, #tpu.memory_space<vmem>>, vector<16xf32>,
    %swap3A_38 = arith.constant 208 : index
    %swap3A_39 = tpu.vector_load %arg5[%swap3A_38] {strides = array<i32>} : memref<2048xf32, #tpu.memory_space<vmem>>, vector<16xf32>,
    tpu.vector_store %arg5[%swap3A_38], %broadcast_in_dim3A_12 {strides = array<i32>} : memref<2048xf32, #tpu.memory_space<vmem>>, vector<16xf32>,
    %swap3A_40 = arith.constant 224 : index
    %swap3A_41 = tpu.vector_load %arg5[%swap3A_40] {strides = array<i32>} : memref<2048xf32, #tpu.memory_space<vmem>>, vector<16xf32>,
    tpu.vector_store %arg5[%swap3A_40], %broadcast_in_dim3A_12 {strides = array<i32>} : memref<2048xf32, #tpu.memory_space<vmem>>, vector<16xf32>,
    %swap3A_42 = arith.constant 240 : index
    %swap3A_43 = tpu.vector_load %arg5[%swap3A_42] {strides = array<i32>} : memref<2048xf32, #tpu.memory_space<vmem>>, vector<16xf32>,
    tpu.vector_store %arg5[%swap3A_42], %broadcast_in_dim3A_12 {strides = array<i32>} : memref<2048xf32, #tpu.memory_space<vmem>>, vector<16xf32>,
    %swap3A_44 = arith.constant 256 : index
    %swap3A_45 = tpu.vector_load %arg5[%swap3A_44] {strides = array<i32>} : memref<2048xf32, #tpu.memory_space<vmem>>, vector<16xf32>,
    tpu.vector_store %arg5[%swap3A_44], %broadcast_in_dim3A_12 {strides = array<i32>} : memref<2048xf32, #tpu.memory_space<vmem>>, vector<16xf32>,
    %swap3A_46 = arith.constant 272 : index
    %swap3A_47 = tpu.vector_load %arg5[%swap3A_46] {strides = array<i32>} : memref<2048xf32, #tpu.memory_space<vmem>>, vector<16xf32>,
    tpu.vector_store %arg5[%swap3A_46], %broadcast_in_dim3A_12 {strides = array<i32>} : memref<2048xf32, #tpu.memory_space<vmem>>, vector<16xf32>,
    %swap3A_48 = arith.constant 288 : index
    %swap3A_49 = tpu.vector_load %arg5[%swap3A_48] {strides = array<i32>} : memref<2048xf32, #tpu.memory_space<vmem>>, vector<16xf32>,
    tpu.vector_store %arg5[%swap3A_48], %broadcast_in_dim3A_12 {strides = array<i32>} : memref<2048xf32, #tpu.memory_space<vmem>>, vector<16xf32>,
    %swap3A_50 = arith.constant 304 : index
    %swap3A_51 = tpu.vector_load %arg5[%swap3A_50] {strides = array<i32>} : memref<2048xf32, #tpu.memory_space<vmem>>, vector<16xf32>,
    tpu.vector_store %arg5[%swap3A_50], %broadcast_in_dim3A_12 {strides = array<i32>} : memref<2048xf32, #tpu.memory_space<vmem>>, vector<16xf32>,
    %swap3A_52 = arith.constant 320 : index
    %swap3A_53 = tpu.vector_load %arg5[%swap3A_52] {strides = array<i32>} : memref<2048xf32, #tpu.memory_space<vmem>>, vector<16xf32>,
    tpu.vector_store %arg5[%swap3A_52], %broadcast_in_dim3A_12 {strides = array<i32>} : memref<2048xf32, #tpu.memory_space<vmem>>, vector<16xf32>,
    %swap3A_54 = arith.constant 336 : index
    %swap3A_55 = tpu.vector_load %arg5[%swap3A_54] {strides = array<i32>} : memref<2048xf32, #tpu.memory_space<vmem>>, vector<16xf32>,
    tpu.vector_store %arg5[%swap3A_54], %broadcast_in_dim3A_12 {strides = array<i32>} : memref<2048xf32, #tpu.memory_space<vmem>>, vector<16xf32>,
    %swap3A_56 = arith.constant 352 : index
    %swap3A_57 = tpu.vector_load %arg5[%swap3A_56] {strides = array<i32>} : memref<2048xf32, #tpu.memory_space<vmem>>, vector<16xf32>,
    tpu.vector_store %arg5[%swap3A_56], %broadcast_in_dim3A_12 {strides = array<i32>} : memref<2048xf32, #tpu.memory_space<vmem>>, vector<16xf32>,
    %swap3A_58 = arith.constant 368 : index
    %swap3A_59 = tpu.vector_load %arg5[%swap3A_58] {strides = array<i32>} : memref<2048xf32, #tpu.memory_space<vmem>>, vector<16xf32>,
    tpu.vector_store %arg5[%swap3A_58], %broadcast_in_dim3A_12 {strides = array<i32>} : memref<2048xf32, #tpu.memory_space<vmem>>, vector<16xf32>,
    %swap3A_60 = arith.constant 384 : index
    %swap3A_61 = tpu.vector_load %arg5[%swap3A_60] {strides = array<i32>} : memref<2048xf32, #tpu.memory_space<vmem>>, vector<16xf32>,
    tpu.vector_store %arg5[%swap3A_60], %broadcast_in_dim3A_12 {strides = array<i32>} : memref<2048xf32, #tpu.memory_space<vmem>>, vector<16xf32>,
    %swap3A_62 = arith.constant 400 : index
    %swap3A_63 = tpu.vector_load %arg5[%swap3A_62] {strides = array<i32>} : memref<2048xf32, #tpu.memory_space<vmem>>, vector<16xf32>,
    tpu.vector_store %arg5[%swap3A_62], %broadcast_in_dim3A_12 {strides = array<i32>} : memref<2048xf32, #tpu.memory_space<vmem>>, vector<16xf32>,
    %swap3A_64 = arith.constant 416 : index
    %swap3A_65 = tpu.vector_load %arg5[%swap3A_64] {strides = array<i32>} : memref<2048xf32, #tpu.memory_space<vmem>>, vector<16xf32>,
    tpu.vector_store %arg5[%swap3A_64], %broadcast_in_dim3A_12 {strides = array<i32>} : memref<2048xf32, #tpu.memory_space<vmem>>, vector<16xf32>,
    %swap3A_66 = arith.constant 432 : index
    %swap3A_67 = tpu.vector_load %arg5[%swap3A_66] {strides = array<i32>} : memref<2048xf32, #tpu.memory_space<vmem>>, vector<16xf32>,
    tpu.vector_store %arg5[%swap3A_66], %broadcast_in_dim3A_12 {strides = array<i32>} : memref<2048xf32, #tpu.memory_space<vmem>>, vector<16xf32>,
    %swap3A_68 = arith.constant 448 : index
    %swap3A_69 = tpu.vector_load %arg5[%swap3A_68] {strides = array<i32>} : memref<2048xf32, #tpu.memory_space<vmem>>, vector<16xf32>,
    tpu.vector_store %arg5[%swap3A_68], %broadcast_in_dim3A_12 {strides = array<i32>} : memref<2048xf32, #tpu.memory_space<vmem>>, vector<16xf32>,
    %swap3A_70 = arith.constant 464 : index
    %swap3A_71 = tpu.vector_load %arg5[%swap3A_70] {strides = array<i32>} : memref<2048xf32, #tpu.memory_space<vmem>>, vector<16xf32>,
    tpu.vector_store %arg5[%swap3A_70], %broadcast_in_dim3A_12 {strides = array<i32>} : memref<2048xf32, #tpu.memory_space<vmem>>, vector<16xf32>,
    %swap3A_72 = arith.constant 480 : index
    %swap3A_73 = tpu.vector_load %arg5[%swap3A_72] {strides = array<i32>} : memref<2048xf32, #tpu.memory_space<vmem>>, vector<16xf32>,
    tpu.vector_store %arg5[%swap3A_72], %broadcast_in_dim3A_12 {strides = array<i32>} : memref<2048xf32, #tpu.memory_space<vmem>>, vector<16xf32>,
    %swap3A_74 = arith.constant 496 : index
    %swap3A_75 = tpu.vector_load %arg5[%swap3A_74] {strides = array<i32>} : memref<2048xf32, #tpu.memory_space<vmem>>, vector<16xf32>,
    tpu.vector_store %arg5[%swap3A_74], %broadcast_in_dim3A_12 {strides = array<i32>} : memref<2048xf32, #tpu.memory_space<vmem>>, vector<16xf32>,
    %swap3A_76 = arith.constant 512 : index
    %swap3A_77 = tpu.vector_load %arg5[%swap3A_76] {strides = array<i32>} : memref<2048xf32, #tpu.memory_space<vmem>>, vector<16xf32>,
    tpu.vector_store %arg5[%swap3A_76], %broadcast_in_dim3A_12 {strides = array<i32>} : memref<2048xf32, #tpu.memory_space<vmem>>, vector<16xf32>,
    %swap3A_78 = arith.constant 528 : index
    %swap3A_79 = tpu.vector_load %arg5[%swap3A_78] {strides = array<i32>} : memref<2048xf32, #tpu.memory_space<vmem>>, vector<16xf32>,
    tpu.vector_store %arg5[%swap3A_78], %broadcast_in_dim3A_12 {strides = array<i32>} : memref<2048xf32, #tpu.memory_space<vmem>>, vector<16xf32>,
    %swap3A_80 = arith.constant 544 : index
    %swap3A_81 = tpu.vector_load %arg5[%swap3A_80] {strides = array<i32>} : memref<2048xf32, #tpu.memory_space<vmem>>, vector<16xf32>,
    tpu.vector_store %arg5[%swap3A_80], %broadcast_in_dim3A_12 {strides = array<i32>} : memref<2048xf32, #tpu.memory_space<vmem>>, vector<16xf32>,
    %swap3A_82 = arith.constant 560 : index
    %swap3A_83 = tpu.vector_load %arg5[%swap3A_82] {strides = array<i32>} : memref<2048xf32, #tpu.memory_space<vmem>>, vector<16xf32>,
    tpu.vector_store %arg5[%swap3A_82], %broadcast_in_dim3A_12 {strides = array<i32>} : memref<2048xf32, #tpu.memory_space<vmem>>, vector<16xf32>,
    %swap3A_84 = arith.constant 576 : index
    %swap3A_85 = tpu.vector_load %arg5[%swap3A_84] {strides = array<i32>} : memref<2048xf32, #tpu.memory_space<vmem>>, vector<16xf32>,
    tpu.vector_store %arg5[%swap3A_84], %broadcast_in_dim3A_12 {strides = array<i32>} : memref<2048xf32, #tpu.memory_space<vmem>>, vector<16xf32>,
    %swap3A_86 = arith.constant 592 : index
    %swap3A_87 = tpu.vector_load %arg5[%swap3A_86] {strides = array<i32>} : memref<2048xf32, #tpu.memory_space<vmem>>, vector<16xf32>,
    tpu.vector_store %arg5[%swap3A_86], %broadcast_in_dim3A_12 {strides = array<i32>} : memref<2048xf32, #tpu.memory_space<vmem>>, vector<16xf32>,
    %swap3A_88 = arith.constant 608 : index
    %swap3A_89 = tpu.vector_load %arg5[%swap3A_88] {strides = array<i32>} : memref<2048xf32, #tpu.memory_space<vmem>>, vector<16xf32>,
    tpu.vector_store %arg5[%swap3A_88], %broadcast_in_dim3A_12 {strides = array<i32>} : memref<2048xf32, #tpu.memory_space<vmem>>, vector<16xf32>,
    %swap3A_90 = arith.constant 624 : index
    %swap3A_91 = tpu.vector_load %arg5[%swap3A_90] {strides = array<i32>} : memref<2048xf32, #tpu.memory_space<vmem>>, vector<16xf32>,
    tpu.vector_store %arg5[%swap3A_90], %broadcast_in_dim3A_12 {strides = array<i32>} : memref<2048xf32, #tpu.memory_space<vmem>>, vector<16xf32>,
    %swap3A_92 = arith.constant 640 : index
    %swap3A_93 = tpu.vector_load %arg5[%swap3A_92] {strides = array<i32>} : memref<2048xf32, #tpu.memory_space<vmem>>, vector<16xf32>,
    tpu.vector_store %arg5[%swap3A_92], %broadcast_in_dim3A_12 {strides = array<i32>} : memref<2048xf32, #tpu.memory_space<vmem>>, vector<16xf32>,
    %swap3A_94 = arith.constant 656 : index
    %swap3A_95 = tpu.vector_load %arg5[%swap3A_94] {strides = array<i32>} : memref<2048xf32, #tpu.memory_space<vmem>>, vector<16xf32>,
    tpu.vector_store %arg5[%swap3A_94], %broadcast_in_dim3A_12 {strides = array<i32>} : memref<2048xf32, #tpu.memory_space<vmem>>, vector<16xf32>,
    %swap3A_96 = arith.constant 672 : index
    %swap3A_97 = tpu.vector_load %arg5[%swap3A_96] {strides = array<i32>} : memref<2048xf32, #tpu.memory_space<vmem>>, vector<16xf32>,
    tpu.vector_store %arg5[%swap3A_96], %broadcast_in_dim3A_12 {strides = array<i32>} : memref<2048xf32, #tpu.memory_space<vmem>>, vector<16xf32>,
    %swap3A_98 = arith.constant 688 : index
    %swap3A_99 = tpu.vector_load %arg5[%swap3A_98] {strides = array<i32>} : memref<2048xf32, #tpu.memory_space<vmem>>, vector<16xf32>,
    tpu.vector_store %arg5[%swap3A_98], %broadcast_in_dim3A_12 {strides = array<i32>} : memref<2048xf32, #tpu.memory_space<vmem>>, vector<16xf32>,
    %swap3A_100 = arith.constant 704 : index
    %swap3A_101 = tpu.vector_load %arg5[%swap3A_100] {strides = array<i32>} : memref<2048xf32, #tpu.memory_space<vmem>>, vector<16xf32>,
    tpu.vector_store %arg5[%swap3A_100], %broadcast_in_dim3A_12 {strides = array<i32>} : memref<2048xf32, #tpu.memory_space<vmem>>, vector<16xf32>,
    %swap3A_102 = arith.constant 720 : index
    %swap3A_103 = tpu.vector_load %arg5[%swap3A_102] {strides = array<i32>} : memref<2048xf32, #tpu.memory_space<vmem>>, vector<16xf32>,
    tpu.vector_store %arg5[%swap3A_102], %broadcast_in_dim3A_12 {strides = array<i32>} : memref<2048xf32, #tpu.memory_space<vmem>>, vector<16xf32>,
    %swap3A_104 = arith.constant 736 : index
    %swap3A_105 = tpu.vector_load %arg5[%swap3A_104] {strides = array<i32>} : memref<2048xf32, #tpu.memory_space<vmem>>, vector<16xf32>,
    tpu.vector_store %arg5[%swap3A_104], %broadcast_in_dim3A_12 {strides = array<i32>} : memref<2048xf32, #tpu.memory_space<vmem>>, vector<16xf32>,
    %swap3A_106 = arith.constant 752 : index
    %swap3A_107 = tpu.vector_load %arg5[%swap3A_106] {strides = array<i32>} : memref<2048xf32, #tpu.memory_space<vmem>>, vector<16xf32>,
    tpu.vector_store %arg5[%swap3A_106], %broadcast_in_dim3A_12 {strides = array<i32>} : memref<2048xf32, #tpu.memory_space<vmem>>, vector<16xf32>,
    %swap3A_108 = arith.constant 768 : index
    %swap3A_109 = tpu.vector_load %arg5[%swap3A_108] {strides = array<i32>} : memref<2048xf32, #tpu.memory_space<vmem>>, vector<16xf32>,
    tpu.vector_store %arg5[%swap3A_108], %broadcast_in_dim3A_12 {strides = array<i32>} : memref<2048xf32, #tpu.memory_space<vmem>>, vector<16xf32>,
    %swap3A_110 = arith.constant 784 : index
    %swap3A_111 = tpu.vector_load %arg5[%swap3A_110] {strides = array<i32>} : memref<2048xf32, #tpu.memory_space<vmem>>, vector<16xf32>,
    tpu.vector_store %arg5[%swap3A_110], %broadcast_in_dim3A_12 {strides = array<i32>} : memref<2048xf32, #tpu.memory_space<vmem>>, vector<16xf32>,
    %swap3A_112 = arith.constant 800 : index
    %swap3A_113 = tpu.vector_load %arg5[%swap3A_112] {strides = array<i32>} : memref<2048xf32, #tpu.memory_space<vmem>>, vector<16xf32>,
    tpu.vector_store %arg5[%swap3A_112], %broadcast_in_dim3A_12 {strides = array<i32>} : memref<2048xf32, #tpu.memory_space<vmem>>, vector<16xf32>,
    %swap3A_114 = arith.constant 816 : index
    %swap3A_115 = tpu.vector_load %arg5[%swap3A_114] {strides = array<i32>} : memref<2048xf32, #tpu.memory_space<vmem>>, vector<16xf32>,
    tpu.vector_store %arg5[%swap3A_114], %broadcast_in_dim3A_12 {strides = array<i32>} : memref<2048xf32, #tpu.memory_space<vmem>>, vector<16xf32>,
    %swap3A_116 = arith.constant 832 : index
    %swap3A_117 = tpu.vector_load %arg5[%swap3A_116] {strides = array<i32>} : memref<2048xf32, #tpu.memory_space<vmem>>, vector<16xf32>,
    tpu.vector_store %arg5[%swap3A_116], %broadcast_in_dim3A_12 {strides = array<i32>} : memref<2048xf32, #tpu.memory_space<vmem>>, vector<16xf32>,
    %swap3A_118 = arith.constant 848 : index
    %swap3A_119 = tpu.vector_load %arg5[%swap3A_118] {strides = array<i32>} : memref<2048xf32, #tpu.memory_space<vmem>>, vector<16xf32>,
    tpu.vector_store %arg5[%swap3A_118], %broadcast_in_dim3A_12 {strides = array<i32>} : memref<2048xf32, #tpu.memory_space<vmem>>, vector<16xf32>,
    %swap3A_120 = arith.constant 864 : index
    %swap3A_121 = tpu.vector_load %arg5[%swap3A_120] {strides = array<i32>} : memref<2048xf32, #tpu.memory_space<vmem>>, vector<16xf32>,
    tpu.vector_store %arg5[%swap3A_120], %broadcast_in_dim3A_12 {strides = array<i32>} : memref<2048xf32, #tpu.memory_space<vmem>>, vector<16xf32>,
    %swap3A_122 = arith.constant 880 : index
    %swap3A_123 = tpu.vector_load %arg5[%swap3A_122] {strides = array<i32>} : memref<2048xf32, #tpu.memory_space<vmem>>, vector<16xf32>,
    tpu.vector_store %arg5[%swap3A_122], %broadcast_in_dim3A_12 {strides = array<i32>} : memref<2048xf32, #tpu.memory_space<vmem>>, vector<16xf32>,
    %swap3A_124 = arith.constant 896 : index
    %swap3A_125 = tpu.vector_load %arg5[%swap3A_124] {strides = array<i32>} : memref<2048xf32, #tpu.memory_space<vmem>>, vector<16xf32>,
    tpu.vector_store %arg5[%swap3A_124], %broadcast_in_dim3A_12 {strides = array<i32>} : memref<2048xf32, #tpu.memory_space<vmem>>, vector<16xf32>,
    %swap3A_126 = arith.constant 912 : index
    %swap3A_127 = tpu.vector_load %arg5[%swap3A_126] {strides = array<i32>} : memref<2048xf32, #tpu.memory_space<vmem>>, vector<16xf32>,
    tpu.vector_store %arg5[%swap3A_126], %broadcast_in_dim3A_12 {strides = array<i32>} : memref<2048xf32, #tpu.memory_space<vmem>>, vector<16xf32>,
    %swap3A_128 = arith.constant 928 : index
    %swap3A_129 = tpu.vector_load %arg5[%swap3A_128] {strides = array<i32>} : memref<2048xf32, #tpu.memory_space<vmem>>, vector<16xf32>,
    tpu.vector_store %arg5[%swap3A_128], %broadcast_in_dim3A_12 {strides = array<i32>} : memref<2048xf32, #tpu.memory_space<vmem>>, vector<16xf32>,
    %swap3A_130 = arith.constant 944 : index
    %swap3A_131 = tpu.vector_load %arg5[%swap3A_130] {strides = array<i32>} : memref<2048xf32, #tpu.memory_space<vmem>>, vector<16xf32>,
    tpu.vector_store %arg5[%swap3A_130], %broadcast_in_dim3A_12 {strides = array<i32>} : memref<2048xf32, #tpu.memory_space<vmem>>, vector<16xf32>,
    %swap3A_132 = arith.constant 960 : index
    %swap3A_133 = tpu.vector_load %arg5[%swap3A_132] {strides = array<i32>} : memref<2048xf32, #tpu.memory_space<vmem>>, vector<16xf32>,
    tpu.vector_store %arg5[%swap3A_132], %broadcast_in_dim3A_12 {strides = array<i32>} : memref<2048xf32, #tpu.memory_space<vmem>>, vector<16xf32>,
    %swap3A_134 = arith.constant 976 : index
    %swap3A_135 = tpu.vector_load %arg5[%swap3A_134] {strides = array<i32>} : memref<2048xf32, #tpu.memory_space<vmem>>, vector<16xf32>,
    tpu.vector_store %arg5[%swap3A_134], %broadcast_in_dim3A_12 {strides = array<i32>} : memref<2048xf32, #tpu.memory_space<vmem>>, vector<16xf32>,
    %swap3A_136 = arith.constant 992 : index
    %swap3A_137 = tpu.vector_load %arg5[%swap3A_136] {strides = array<i32>} : memref<2048xf32, #tpu.memory_space<vmem>>, vector<16xf32>,
    tpu.vector_store %arg5[%swap3A_136], %broadcast_in_dim3A_12 {strides = array<i32>} : memref<2048xf32, #tpu.memory_space<vmem>>, vector<16xf32>,
    %swap3A_138 = arith.constant 1008 : index
    %swap3A_139 = tpu.vector_load %arg5[%swap3A_138] {strides = array<i32>} : memref<2048xf32, #tpu.memory_space<vmem>>, vector<16xf32>,
    tpu.vector_store %arg5[%swap3A_138], %broadcast_in_dim3A_12 {strides = array<i32>} : memref<2048xf32, #tpu.memory_space<vmem>>, vector<16xf32>,
    %swap3A_140 = arith.constant 1024 : index
    %swap3A_141 = tpu.vector_load %arg5[%swap3A_140] {strides = array<i32>} : memref<2048xf32, #tpu.memory_space<vmem>>, vector<16xf32>,
    tpu.vector_store %arg5[%swap3A_140], %broadcast_in_dim3A_12 {strides = array<i32>} : memref<2048xf32, #tpu.memory_space<vmem>>, vector<16xf32>,
    %swap3A_142 = arith.constant 1040 : index
    %swap3A_143 = tpu.vector_load %arg5[%swap3A_142] {strides = array<i32>} : memref<2048xf32, #tpu.memory_space<vmem>>, vector<16xf32>,
    tpu.vector_store %arg5[%swap3A_142], %broadcast_in_dim3A_12 {strides = array<i32>} : memref<2048xf32, #tpu.memory_space<vmem>>, vector<16xf32>,
    %swap3A_144 = arith.constant 1056 : index
    %swap3A_145 = tpu.vector_load %arg5[%swap3A_144] {strides = array<i32>} : memref<2048xf32, #tpu.memory_space<vmem>>, vector<16xf32>,
    tpu.vector_store %arg5[%swap3A_144], %broadcast_in_dim3A_12 {strides = array<i32>} : memref<2048xf32, #tpu.memory_space<vmem>>, vector<16xf32>,
    %swap3A_146 = arith.constant 1072 : index
    %swap3A_147 = tpu.vector_load %arg5[%swap3A_146] {strides = array<i32>} : memref<2048xf32, #tpu.memory_space<vmem>>, vector<16xf32>,
    tpu.vector_store %arg5[%swap3A_146], %broadcast_in_dim3A_12 {strides = array<i32>} : memref<2048xf32, #tpu.memory_space<vmem>>, vector<16xf32>,
    %swap3A_148 = arith.constant 1088 : index
    %swap3A_149 = tpu.vector_load %arg5[%swap3A_148] {strides = array<i32>} : memref<2048xf32, #tpu.memory_space<vmem>>, vector<16xf32>,
    tpu.vector_store %arg5[%swap3A_148], %broadcast_in_dim3A_12 {strides = array<i32>} : memref<2048xf32, #tpu.memory_space<vmem>>, vector<16xf32>,
    %swap3A_150 = arith.constant 1104 : index
    %swap3A_151 = tpu.vector_load %arg5[%swap3A_150] {strides = array<i32>} : memref<2048xf32, #tpu.memory_space<vmem>>, vector<16xf32>,
    tpu.vector_store %arg5[%swap3A_150], %broadcast_in_dim3A_12 {strides = array<i32>} : memref<2048xf32, #tpu.memory_space<vmem>>, vector<16xf32>,
    %swap3A_152 = arith.constant 1120 : index
    %swap3A_153 = tpu.vector_load %arg5[%swap3A_152] {strides = array<i32>} : memref<2048xf32, #tpu.memory_space<vmem>>, vector<16xf32>,
    tpu.vector_store %arg5[%swap3A_152], %broadcast_in_dim3A_12 {strides = array<i32>} : memref<2048xf32, #tpu.memory_space<vmem>>, vector<16xf32>,
    %swap3A_154 = arith.constant 1136 : index
    %swap3A_155 = tpu.vector_load %arg5[%swap3A_154] {strides = array<i32>} : memref<2048xf32, #tpu.memory_space<vmem>>, vector<16xf32>,
    tpu.vector_store %arg5[%swap3A_154], %broadcast_in_dim3A_12 {strides = array<i32>} : memref<2048xf32, #tpu.memory_space<vmem>>, vector<16xf32>,
    %swap3A_156 = arith.constant 1152 : index
    %swap3A_157 = tpu.vector_load %arg5[%swap3A_156] {strides = array<i32>} : memref<2048xf32, #tpu.memory_space<vmem>>, vector<16xf32>,
    tpu.vector_store %arg5[%swap3A_156], %broadcast_in_dim3A_12 {strides = array<i32>} : memref<2048xf32, #tpu.memory_space<vmem>>, vector<16xf32>,
    %swap3A_158 = arith.constant 1168 : index
    %swap3A_159 = tpu.vector_load %arg5[%swap3A_158] {strides = array<i32>} : memref<2048xf32, #tpu.memory_space<vmem>>, vector<16xf32>,
    tpu.vector_store %arg5[%swap3A_158], %broadcast_in_dim3A_12 {strides = array<i32>} : memref<2048xf32, #tpu.memory_space<vmem>>, vector<16xf32>,
    %swap3A_160 = arith.constant 1184 : index
    %swap3A_161 = tpu.vector_load %arg5[%swap3A_160] {strides = array<i32>} : memref<2048xf32, #tpu.memory_space<vmem>>, vector<16xf32>,
    tpu.vector_store %arg5[%swap3A_160], %broadcast_in_dim3A_12 {strides = array<i32>} : memref<2048xf32, #tpu.memory_space<vmem>>, vector<16xf32>,
    %swap3A_162 = arith.constant 1200 : index
    %swap3A_163 = tpu.vector_load %arg5[%swap3A_162] {strides = array<i32>} : memref<2048xf32, #tpu.memory_space<vmem>>, vector<16xf32>,
    tpu.vector_store %arg5[%swap3A_162], %broadcast_in_dim3A_12 {strides = array<i32>} : memref<2048xf32, #tpu.memory_space<vmem>>, vector<16xf32>,
    %swap3A_164 = arith.constant 1216 : index
    %swap3A_165 = tpu.vector_load %arg5[%swap3A_164] {strides = array<i32>} : memref<2048xf32, #tpu.memory_space<vmem>>, vector<16xf32>,
    tpu.vector_store %arg5[%swap3A_164], %broadcast_in_dim3A_12 {strides = array<i32>} : memref<2048xf32, #tpu.memory_space<vmem>>, vector<16xf32>,
    %swap3A_166 = arith.constant 1232 : index
    %swap3A_167 = tpu.vector_load %arg5[%swap3A_166] {strides = array<i32>} : memref<2048xf32, #tpu.memory_space<vmem>>, vector<16xf32>,
    tpu.vector_store %arg5[%swap3A_166], %broadcast_in_dim3A_12 {strides = array<i32>} : memref<2048xf32, #tpu.memory_space<vmem>>, vector<16xf32>,
    %swap3A_168 = arith.constant 1248 : index
    %swap3A_169 = tpu.vector_load %arg5[%swap3A_168] {strides = array<i32>} : memref<2048xf32, #tpu.memory_space<vmem>>, vector<16xf32>,
    tpu.vector_store %arg5[%swap3A_168], %broadcast_in_dim3A_12 {strides = array<i32>} : memref<2048xf32, #tpu.memory_space<vmem>>, vector<16xf32>,
    %swap3A_170 = arith.constant 1264 : index
    %swap3A_171 = tpu.vector_load %arg5[%swap3A_170] {strides = array<i32>} : memref<2048xf32, #tpu.memory_space<vmem>>, vector<16xf32>,
    tpu.vector_store %arg5[%swap3A_170], %broadcast_in_dim3A_12 {strides = array<i32>} : memref<2048xf32, #tpu.memory_space<vmem>>, vector<16xf32>,
    %swap3A_172 = arith.constant 1280 : index
    %swap3A_173 = tpu.vector_load %arg5[%swap3A_172] {strides = array<i32>} : memref<2048xf32, #tpu.memory_space<vmem>>, vector<16xf32>,
    tpu.vector_store %arg5[%swap3A_172], %broadcast_in_dim3A_12 {strides = array<i32>} : memref<2048xf32, #tpu.memory_space<vmem>>, vector<16xf32>,
    %swap3A_174 = arith.constant 1296 : index
    %swap3A_175 = tpu.vector_load %arg5[%swap3A_174] {strides = array<i32>} : memref<2048xf32, #tpu.memory_space<vmem>>, vector<16xf32>,
    tpu.vector_store %arg5[%swap3A_174], %broadcast_in_dim3A_12 {strides = array<i32>} : memref<2048xf32, #tpu.memory_space<vmem>>, vector<16xf32>,
    %swap3A_176 = arith.constant 1312 : index
    %swap3A_177 = tpu.vector_load %arg5[%swap3A_176] {strides = array<i32>} : memref<2048xf32, #tpu.memory_space<vmem>>, vector<16xf32>,
    tpu.vector_store %arg5[%swap3A_176], %broadcast_in_dim3A_12 {strides = array<i32>} : memref<2048xf32, #tpu.memory_space<vmem>>, vector<16xf32>,
    %swap3A_178 = arith.constant 1328 : index
    %swap3A_179 = tpu.vector_load %arg5[%swap3A_178] {strides = array<i32>} : memref<2048xf32, #tpu.memory_space<vmem>>, vector<16xf32>,
    tpu.vector_store %arg5[%swap3A_178], %broadcast_in_dim3A_12 {strides = array<i32>} : memref<2048xf32, #tpu.memory_space<vmem>>, vector<16xf32>,
    %swap3A_180 = arith.constant 1344 : index
    %swap3A_181 = tpu.vector_load %arg5[%swap3A_180] {strides = array<i32>} : memref<2048xf32, #tpu.memory_space<vmem>>, vector<16xf32>,
    tpu.vector_store %arg5[%swap3A_180], %broadcast_in_dim3A_12 {strides = array<i32>} : memref<2048xf32, #tpu.memory_space<vmem>>, vector<16xf32>,
    %swap3A_182 = arith.constant 1360 : index
    %swap3A_183 = tpu.vector_load %arg5[%swap3A_182] {strides = array<i32>} : memref<2048xf32, #tpu.memory_space<vmem>>, vector<16xf32>,
    tpu.vector_store %arg5[%swap3A_182], %broadcast_in_dim3A_12 {strides = array<i32>} : memref<2048xf32, #tpu.memory_space<vmem>>, vector<16xf32>,
    %swap3A_184 = arith.constant 1376 : index
    %swap3A_185 = tpu.vector_load %arg5[%swap3A_184] {strides = array<i32>} : memref<2048xf32, #tpu.memory_space<vmem>>, vector<16xf32>,
    tpu.vector_store %arg5[%swap3A_184], %broadcast_in_dim3A_12 {strides = array<i32>} : memref<2048xf32, #tpu.memory_space<vmem>>, vector<16xf32>,
    %swap3A_186 = arith.constant 1392 : index
    %swap3A_187 = tpu.vector_load %arg5[%swap3A_186] {strides = array<i32>} : memref<2048xf32, #tpu.memory_space<vmem>>, vector<16xf32>,
    tpu.vector_store %arg5[%swap3A_186], %broadcast_in_dim3A_12 {strides = array<i32>} : memref<2048xf32, #tpu.memory_space<vmem>>, vector<16xf32>,
    %swap3A_188 = arith.constant 1408 : index
    %swap3A_189 = tpu.vector_load %arg5[%swap3A_188] {strides = array<i32>} : memref<2048xf32, #tpu.memory_space<vmem>>, vector<16xf32>,
    tpu.vector_store %arg5[%swap3A_188], %broadcast_in_dim3A_12 {strides = array<i32>} : memref<2048xf32, #tpu.memory_space<vmem>>, vector<16xf32>,
    %swap3A_190 = arith.constant 1424 : index
    %swap3A_191 = tpu.vector_load %arg5[%swap3A_190] {strides = array<i32>} : memref<2048xf32, #tpu.memory_space<vmem>>, vector<16xf32>,
    tpu.vector_store %arg5[%swap3A_190], %broadcast_in_dim3A_12 {strides = array<i32>} : memref<2048xf32, #tpu.memory_space<vmem>>, vector<16xf32>,
    %swap3A_192 = arith.constant 1440 : index
    %swap3A_193 = tpu.vector_load %arg5[%swap3A_192] {strides = array<i32>} : memref<2048xf32, #tpu.memory_space<vmem>>, vector<16xf32>,
    tpu.vector_store %arg5[%swap3A_192], %broadcast_in_dim3A_12 {strides = array<i32>} : memref<2048xf32, #tpu.memory_space<vmem>>, vector<16xf32>,
    %swap3A_194 = arith.constant 1456 : index
    %swap3A_195 = tpu.vector_load %arg5[%swap3A_194] {strides = array<i32>} : memref<2048xf32, #tpu.memory_space<vmem>>, vector<16xf32>,
    tpu.vector_store %arg5[%swap3A_194], %broadcast_in_dim3A_12 {strides = array<i32>} : memref<2048xf32, #tpu.memory_space<vmem>>, vector<16xf32>,
    %swap3A_196 = arith.constant 1472 : index
    %swap3A_197 = tpu.vector_load %arg5[%swap3A_196] {strides = array<i32>} : memref<2048xf32, #tpu.memory_space<vmem>>, vector<16xf32>,
    tpu.vector_store %arg5[%swap3A_196], %broadcast_in_dim3A_12 {strides = array<i32>} : memref<2048xf32, #tpu.memory_space<vmem>>, vector<16xf32>,
    %swap3A_198 = arith.constant 1488 : index
    %swap3A_199 = tpu.vector_load %arg5[%swap3A_198] {strides = array<i32>} : memref<2048xf32, #tpu.memory_space<vmem>>, vector<16xf32>,
    tpu.vector_store %arg5[%swap3A_198], %broadcast_in_dim3A_12 {strides = array<i32>} : memref<2048xf32, #tpu.memory_space<vmem>>, vector<16xf32>,
    %swap3A_200 = arith.constant 1504 : index
    %swap3A_201 = tpu.vector_load %arg5[%swap3A_200] {strides = array<i32>} : memref<2048xf32, #tpu.memory_space<vmem>>, vector<16xf32>,
    tpu.vector_store %arg5[%swap3A_200], %broadcast_in_dim3A_12 {strides = array<i32>} : memref<2048xf32, #tpu.memory_space<vmem>>, vector<16xf32>,
    %swap3A_202 = arith.constant 1520 : index
    %swap3A_203 = tpu.vector_load %arg5[%swap3A_202] {strides = array<i32>} : memref<2048xf32, #tpu.memory_space<vmem>>, vector<16xf32>,
    tpu.vector_store %arg5[%swap3A_202], %broadcast_in_dim3A_12 {strides = array<i32>} : memref<2048xf32, #tpu.memory_space<vmem>>, vector<16xf32>,
    %swap3A_204 = arith.constant 1536 : index
    %swap3A_205 = tpu.vector_load %arg5[%swap3A_204] {strides = array<i32>} : memref<2048xf32, #tpu.memory_space<vmem>>, vector<16xf32>,
    tpu.vector_store %arg5[%swap3A_204], %broadcast_in_dim3A_12 {strides = array<i32>} : memref<2048xf32, #tpu.memory_space<vmem>>, vector<16xf32>,
    %swap3A_206 = arith.constant 1552 : index
    %swap3A_207 = tpu.vector_load %arg5[%swap3A_206] {strides = array<i32>} : memref<2048xf32, #tpu.memory_space<vmem>>, vector<16xf32>,
    tpu.vector_store %arg5[%swap3A_206], %broadcast_in_dim3A_12 {strides = array<i32>} : memref<2048xf32, #tpu.memory_space<vmem>>, vector<16xf32>,
    %swap3A_208 = arith.constant 1568 : index
    %swap3A_209 = tpu.vector_load %arg5[%swap3A_208] {strides = array<i32>} : memref<2048xf32, #tpu.memory_space<vmem>>, vector<16xf32>,
    tpu.vector_store %arg5[%swap3A_208], %broadcast_in_dim3A_12 {strides = array<i32>} : memref<2048xf32, #tpu.memory_space<vmem>>, vector<16xf32>,
    %swap3A_210 = arith.constant 1584 : index
    %swap3A_211 = tpu.vector_load %arg5[%swap3A_210] {strides = array<i32>} : memref<2048xf32, #tpu.memory_space<vmem>>, vector<16xf32>,
    tpu.vector_store %arg5[%swap3A_210], %broadcast_in_dim3A_12 {strides = array<i32>} : memref<2048xf32, #tpu.memory_space<vmem>>, vector<16xf32>,
    %swap3A_212 = arith.constant 1600 : index
    %swap3A_213 = tpu.vector_load %arg5[%swap3A_212] {strides = array<i32>} : memref<2048xf32, #tpu.memory_space<vmem>>, vector<16xf32>,
    tpu.vector_store %arg5[%swap3A_212], %broadcast_in_dim3A_12 {strides = array<i32>} : memref<2048xf32, #tpu.memory_space<vmem>>, vector<16xf32>,
    %swap3A_214 = arith.constant 1616 : index
    %swap3A_215 = tpu.vector_load %arg5[%swap3A_214] {strides = array<i32>} : memref<2048xf32, #tpu.memory_space<vmem>>, vector<16xf32>,
    tpu.vector_store %arg5[%swap3A_214], %broadcast_in_dim3A_12 {strides = array<i32>} : memref<2048xf32, #tpu.memory_space<vmem>>, vector<16xf32>,
    %swap3A_216 = arith.constant 1632 : index
    %swap3A_217 = tpu.vector_load %arg5[%swap3A_216] {strides = array<i32>} : memref<2048xf32, #tpu.memory_space<vmem>>, vector<16xf32>,
    tpu.vector_store %arg5[%swap3A_216], %broadcast_in_dim3A_12 {strides = array<i32>} : memref<2048xf32, #tpu.memory_space<vmem>>, vector<16xf32>,
    %swap3A_218 = arith.constant 1648 : index
    %swap3A_219 = tpu.vector_load %arg5[%swap3A_218] {strides = array<i32>} : memref<2048xf32, #tpu.memory_space<vmem>>, vector<16xf32>,
    tpu.vector_store %arg5[%swap3A_218], %broadcast_in_dim3A_12 {strides = array<i32>} : memref<2048xf32, #tpu.memory_space<vmem>>, vector<16xf32>,
    %swap3A_220 = arith.constant 1664 : index
    %swap3A_221 = tpu.vector_load %arg5[%swap3A_220] {strides = array<i32>} : memref<2048xf32, #tpu.memory_space<vmem>>, vector<16xf32>,
    tpu.vector_store %arg5[%swap3A_220], %broadcast_in_dim3A_12 {strides = array<i32>} : memref<2048xf32, #tpu.memory_space<vmem>>, vector<16xf32>,
    %swap3A_222 = arith.constant 1680 : index
    %swap3A_223 = tpu.vector_load %arg5[%swap3A_222] {strides = array<i32>} : memref<2048xf32, #tpu.memory_space<vmem>>, vector<16xf32>,
    tpu.vector_store %arg5[%swap3A_222], %broadcast_in_dim3A_12 {strides = array<i32>} : memref<2048xf32, #tpu.memory_space<vmem>>, vector<16xf32>,
    %swap3A_224 = arith.constant 1696 : index
    %swap3A_225 = tpu.vector_load %arg5[%swap3A_224] {strides = array<i32>} : memref<2048xf32, #tpu.memory_space<vmem>>, vector<16xf32>,
    tpu.vector_store %arg5[%swap3A_224], %broadcast_in_dim3A_12 {strides = array<i32>} : memref<2048xf32, #tpu.memory_space<vmem>>, vector<16xf32>,
    %swap3A_226 = arith.constant 1712 : index
    %swap3A_227 = tpu.vector_load %arg5[%swap3A_226] {strides = array<i32>} : memref<2048xf32, #tpu.memory_space<vmem>>, vector<16xf32>,
    tpu.vector_store %arg5[%swap3A_226], %broadcast_in_dim3A_12 {strides = array<i32>} : memref<2048xf32, #tpu.memory_space<vmem>>, vector<16xf32>,
    %swap3A_228 = arith.constant 1728 : index
    %swap3A_229 = tpu.vector_load %arg5[%swap3A_228] {strides = array<i32>} : memref<2048xf32, #tpu.memory_space<vmem>>, vector<16xf32>,
    tpu.vector_store %arg5[%swap3A_228], %broadcast_in_dim3A_12 {strides = array<i32>} : memref<2048xf32, #tpu.memory_space<vmem>>, vector<16xf32>,
    %swap3A_230 = arith.constant 1744 : index
    %swap3A_231 = tpu.vector_load %arg5[%swap3A_230] {strides = array<i32>} : memref<2048xf32, #tpu.memory_space<vmem>>, vector<16xf32>,
    tpu.vector_store %arg5[%swap3A_230], %broadcast_in_dim3A_12 {strides = array<i32>} : memref<2048xf32, #tpu.memory_space<vmem>>, vector<16xf32>,
    %swap3A_232 = arith.constant 1760 : index
    %swap3A_233 = tpu.vector_load %arg5[%swap3A_232] {strides = array<i32>} : memref<2048xf32, #tpu.memory_space<vmem>>, vector<16xf32>,
    tpu.vector_store %arg5[%swap3A_232], %broadcast_in_dim3A_12 {strides = array<i32>} : memref<2048xf32, #tpu.memory_space<vmem>>, vector<16xf32>,
    %swap3A_234 = arith.constant 1776 : index
    %swap3A_235 = tpu.vector_load %arg5[%swap3A_234] {strides = array<i32>} : memref<2048xf32, #tpu.memory_space<vmem>>, vector<16xf32>,
    tpu.vector_store %arg5[%swap3A_234], %broadcast_in_dim3A_12 {strides = array<i32>} : memref<2048xf32, #tpu.memory_space<vmem>>, vector<16xf32>,
    %swap3A_236 = arith.constant 1792 : index
    %swap3A_237 = tpu.vector_load %arg5[%swap3A_236] {strides = array<i32>} : memref<2048xf32, #tpu.memory_space<vmem>>, vector<16xf32>,
    tpu.vector_store %arg5[%swap3A_236], %broadcast_in_dim3A_12 {strides = array<i32>} : memref<2048xf32, #tpu.memory_space<vmem>>, vector<16xf32>,
    %swap3A_238 = arith.constant 1808 : index
    %swap3A_239 = tpu.vector_load %arg5[%swap3A_238] {strides = array<i32>} : memref<2048xf32, #tpu.memory_space<vmem>>, vector<16xf32>,
    tpu.vector_store %arg5[%swap3A_238], %broadcast_in_dim3A_12 {strides = array<i32>} : memref<2048xf32, #tpu.memory_space<vmem>>, vector<16xf32>,
    %swap3A_240 = arith.constant 1824 : index
    %swap3A_241 = tpu.vector_load %arg5[%swap3A_240] {strides = array<i32>} : memref<2048xf32, #tpu.memory_space<vmem>>, vector<16xf32>,
    tpu.vector_store %arg5[%swap3A_240], %broadcast_in_dim3A_12 {strides = array<i32>} : memref<2048xf32, #tpu.memory_space<vmem>>, vector<16xf32>,
    %swap3A_242 = arith.constant 1840 : index
    %swap3A_243 = tpu.vector_load %arg5[%swap3A_242] {strides = array<i32>} : memref<2048xf32, #tpu.memory_space<vmem>>, vector<16xf32>,
    tpu.vector_store %arg5[%swap3A_242], %broadcast_in_dim3A_12 {strides = array<i32>} : memref<2048xf32, #tpu.memory_space<vmem>>, vector<16xf32>,
    %swap3A_244 = arith.constant 1856 : index
    %swap3A_245 = tpu.vector_load %arg5[%swap3A_244] {strides = array<i32>} : memref<2048xf32, #tpu.memory_space<vmem>>, vector<16xf32>,
    tpu.vector_store %arg5[%swap3A_244], %broadcast_in_dim3A_12 {strides = array<i32>} : memref<2048xf32, #tpu.memory_space<vmem>>, vector<16xf32>,
    %swap3A_246 = arith.constant 1872 : index
    %swap3A_247 = tpu.vector_load %arg5[%swap3A_246] {strides = array<i32>} : memref<2048xf32, #tpu.memory_space<vmem>>, vector<16xf32>,
    tpu.vector_store %arg5[%swap3A_246], %broadcast_in_dim3A_12 {strides = array<i32>} : memref<2048xf32, #tpu.memory_space<vmem>>, vector<16xf32>,
    %swap3A_248 = arith.constant 1888 : index
    %swap3A_249 = tpu.vector_load %arg5[%swap3A_248] {strides = array<i32>} : memref<2048xf32, #tpu.memory_space<vmem>>, vector<16xf32>,
    tpu.vector_store %arg5[%swap3A_248], %broadcast_in_dim3A_12 {strides = array<i32>} : memref<2048xf32, #tpu.memory_space<vmem>>, vector<16xf32>,
    %swap3A_250 = arith.constant 1904 : index
    %swap3A_251 = tpu.vector_load %arg5[%swap3A_250] {strides = array<i32>} : memref<2048xf32, #tpu.memory_space<vmem>>, vector<16xf32>,
    tpu.vector_store %arg5[%swap3A_250], %broadcast_in_dim3A_12 {strides = array<i32>} : memref<2048xf32, #tpu.memory_space<vmem>>, vector<16xf32>,
    %swap3A_252 = arith.constant 1920 : index
    %swap3A_253 = tpu.vector_load %arg5[%swap3A_252] {strides = array<i32>} : memref<2048xf32, #tpu.memory_space<vmem>>, vector<16xf32>,
    tpu.vector_store %arg5[%swap3A_252], %broadcast_in_dim3A_12 {strides = array<i32>} : memref<2048xf32, #tpu.memory_space<vmem>>, vector<16xf32>,
    %swap3A_254 = arith.constant 1936 : index
    %swap3A_255 = tpu.vector_load %arg5[%swap3A_254] {strides = array<i32>} : memref<2048xf32, #tpu.memory_space<vmem>>, vector<16xf32>,
    tpu.vector_store %arg5[%swap3A_254], %broadcast_in_dim3A_12 {strides = array<i32>} : memref<2048xf32, #tpu.memory_space<vmem>>, vector<16xf32>,
    %swap3A_256 = arith.constant 1952 : index
    %swap3A_257 = tpu.vector_load %arg5[%swap3A_256] {strides = array<i32>} : memref<2048xf32, #tpu.memory_space<vmem>>, vector<16xf32>,
    tpu.vector_store %arg5[%swap3A_256], %broadcast_in_dim3A_12 {strides = array<i32>} : memref<2048xf32, #tpu.memory_space<vmem>>, vector<16xf32>,
    %swap3A_258 = arith.constant 1968 : index
    %swap3A_259 = tpu.vector_load %arg5[%swap3A_258] {strides = array<i32>} : memref<2048xf32, #tpu.memory_space<vmem>>, vector<16xf32>,
    tpu.vector_store %arg5[%swap3A_258], %broadcast_in_dim3A_12 {strides = array<i32>} : memref<2048xf32, #tpu.memory_space<vmem>>, vector<16xf32>,
    %swap3A_260 = arith.constant 1984 : index
    %swap3A_261 = tpu.vector_load %arg5[%swap3A_260] {strides = array<i32>} : memref<2048xf32, #tpu.memory_space<vmem>>, vector<16xf32>,
    tpu.vector_store %arg5[%swap3A_260], %broadcast_in_dim3A_12 {strides = array<i32>} : memref<2048xf32, #tpu.memory_space<vmem>>, vector<16xf32>,
    %swap3A_262 = arith.constant 2000 : index
    %swap3A_263 = tpu.vector_load %arg5[%swap3A_262] {strides = array<i32>} : memref<2048xf32, #tpu.memory_space<vmem>>, vector<16xf32>,
    tpu.vector_store %arg5[%swap3A_262], %broadcast_in_dim3A_12 {strides = array<i32>} : memref<2048xf32, #tpu.memory_space<vmem>>, vector<16xf32>,
    %swap3A_264 = arith.constant 2016 : index
    %swap3A_265 = tpu.vector_load %arg5[%swap3A_264] {strides = array<i32>} : memref<2048xf32, #tpu.memory_space<vmem>>, vector<16xf32>,
    tpu.vector_store %arg5[%swap3A_264], %broadcast_in_dim3A_12 {strides = array<i32>} : memref<2048xf32, #tpu.memory_space<vmem>>, vector<16xf32>,
    %swap3A_266 = arith.constant 2032 : index
    %swap3A_267 = tpu.vector_load %arg5[%swap3A_266] {strides = array<i32>} : memref<2048xf32, #tpu.memory_space<vmem>>, vector<16xf32>,
    tpu.vector_store %arg5[%swap3A_266], %broadcast_in_dim3A_12 {strides = array<i32>} : memref<2048xf32, #tpu.memory_space<vmem>>, vector<16xf32>,
    %iota3A = tpu.iota {dimensions = array<i32: 0>} : vector<16xi32>
    %broadcast_in_dim3A_268 = arith.constant 1.000000e+00 : f32
    %broadcast_in_dim3A_269 = vector.broadcast %broadcast_in_dim3A_268 : f32 to vector<16xf32>
    %add3A_270 = arith.constant 16 : i32
    %add3A_271 = arith.addi %mul3A_2, %add3A_270 : i32
    %dma_start3A_272 = arith.constant 16 : i32
    %dma_start3A_273 = arith.constant 0 : i32
    %dma_start3A_274 = tpu.memref_slice %arg4[%dma_start3A_272, %dma_start3A_273] : memref<32x1024xi32, #tpu.memory_space<vmem>> -> memref<16x1024xi32, #tpu.memory_space<vmem>>
    %dma_start3A_275 = arith.constant 0 : i32
    %dma_start3A_276 = tpu.memref_slice %arg2[%add3A_271, %dma_start3A_275] : memref<1024x1024xi32, #tpu.memory_space<hbm>> -> memref<16x1024xi32, #tpu.memory_space<hbm>>
    %dma_start3A_277 = arith.constant 16 : i32
    %dma_start3A_278 = arith.constant 0 : i32
    %dma_start3A_279 = tpu.memref_slice %arg4[%dma_start3A_277, %dma_start3A_278] : memref<32x1024xi32, #tpu.memory_space<vmem>> -> memref<16x1024xi32, #tpu.memory_space<vmem>>
    %dma_start3A_280 = arith.constant 0 : i32
    %dma_start3A_281 = tpu.memref_slice %arg2[%add3A_271, %dma_start3A_280] : memref<1024x1024xi32, #tpu.memory_space<hbm>> -> memref<16x1024xi32, #tpu.memory_space<hbm>>
    tpu.enqueue_dma source(%dma_start3A_281 : memref<16x1024xi32, #tpu.memory_space<hbm>>) target(%dma_start3A_279 : memref<16x1024xi32, #tpu.memory_space<vmem>>) target_semaphore(%arg7 : memref<!tpu.dma_semaphore, #tpu.memory_space<semaphore_mem>>)
    %dma_wait3A = arith.constant 0 : i32
    %dma_wait3A_282 = arith.constant 0 : i32
    %dma_wait3A_283 = tpu.memref_slice %arg4[%dma_wait3A, %dma_wait3A_282] : memref<32x1024xi32, #tpu.memory_space<vmem>> -> memref<16x1024xi32, #tpu.memory_space<vmem>>
    %dma_wait3A_284 = arith.constant 0 : i32
    %dma_wait3A_285 = tpu.memref_slice %arg2[%mul3A_2, %dma_wait3A_284] : memref<1024x1024xi32, #tpu.memory_space<hbm>> -> memref<16x1024xi32, #tpu.memory_space<hbm>>
    %dma_wait3A_286 = arith.constant 0 : i32
    %dma_wait3A_287 = arith.constant 0 : i32
    %dma_wait3A_288 = tpu.memref_slice %arg4[%dma_wait3A_286, %dma_wait3A_287] : memref<32x1024xi32, #tpu.memory_space<vmem>> -> memref<16x1024xi32, #tpu.memory_space<vmem>>
    %dma_wait3A_289 = arith.constant 0 : i32
    %dma_wait3A_290 = tpu.memref_slice %arg2[%mul3A_2, %dma_wait3A_289] : memref<1024x1024xi32, #tpu.memory_space<hbm>> -> memref<16x1024xi32, #tpu.memory_space<hbm>>
    tpu.wait_dma2 semaphore(%arg6 : memref<!tpu.dma_semaphore, #tpu.memory_space<semaphore_mem>>) src(%dma_wait3A_290 : memref<16x1024xi32, #tpu.memory_space<hbm>>) dst(%dma_wait3A_288 : memref<16x1024xi32, #tpu.memory_space<vmem>>)
    %parallel_loop3A = arith.constant 0 : i32
    %parallel_loop3A_291 = arith.constant 1024 : i32
    %parallel_loop3A_292 = arith.constant 1 : i32
    scf.for %parallel_loop3A_306 = %parallel_loop3A to %parallel_loop3A_291 step %parallel_loop3A_292  : i32 {
      %parallel_loop3A_307 = arith.constant 6 : i32
      %parallel_loop3A_308 = arith.shrsi %parallel_loop3A_306, %parallel_loop3A_307 : i32
      %parallel_loop3A_309 = arith.constant 0 : i32
      %parallel_loop3A_310 = arith.addi %parallel_loop3A_309, %parallel_loop3A_308 : i32
      %parallel_loop3A_311 = arith.constant 63 : i32
      %parallel_loop3A_312 = arith.andi %parallel_loop3A_306, %parallel_loop3A_311 : i32
      %parallel_loop3A_313 = arith.constant 16 : i32
      %parallel_loop3A_314 = arith.muli %parallel_loop3A_312, %parallel_loop3A_313 : i32
      %parallel_loop3A_315 = arith.index_cast %parallel_loop3A_310 : i32 to index
      %parallel_loop3A_316 = arith.index_cast %parallel_loop3A_314 : i32 to index
      %parallel_loop3A_317 = tpu.vector_load %arg4[%parallel_loop3A_315, %parallel_loop3A_316] {strides = array<i32>} : memref<32x1024xi32, #tpu.memory_space<vmem>>, vector<16xi32>,
      %parallel_loop3A_318 = arith.constant 7 : i32
      %parallel_loop3A_319 = arith.andi %parallel_loop3A_306, %parallel_loop3A_318 : i32
      %parallel_loop3A_320 = arith.constant 8 : i32
      %parallel_loop3A_321 = arith.shli %parallel_loop3A_319, %parallel_loop3A_320 : i32
      %parallel_loop3A_322 = arith.constant 16 : i32
      %parallel_loop3A_323 = vector.broadcast %parallel_loop3A_322 : i32 to vector<16xi32>
      %parallel_loop3A_324 = arith.muli %parallel_loop3A_317, %parallel_loop3A_323 : vector<16xi32>
      %parallel_loop3A_325 = arith.addi %parallel_loop3A_324, %iota3A : vector<16xi32>
      %parallel_loop3A_326 = vector.broadcast %parallel_loop3A_321 : i32 to vector<16xi32>
      %parallel_loop3A_327 = arith.addi %parallel_loop3A_325, %parallel_loop3A_326 : vector<16xi32>
      tpu.vector_store_idx %arg5[%parallel_loop3A_327], %broadcast_in_dim3A_269 {add = true} : memref<2048xf32, #tpu.memory_space<vmem>>[vector<16xi32>], vector<16xf32>,
    } {sc.loop_unroll_factor = 8 : i64, sc.parallel_access}
    %dma_wait3A_293 = arith.constant 16 : i32
    %dma_wait3A_294 = arith.constant 0 : i32
    %dma_wait3A_295 = tpu.memref_slice %arg4[%dma_wait3A_293, %dma_wait3A_294] : memref<32x1024xi32, #tpu.memory_space<vmem>> -> memref<16x1024xi32, #tpu.memory_space<vmem>>
    %dma_wait3A_296 = arith.constant 0 : i32
    %dma_wait3A_297 = tpu.memref_slice %arg2[%add3A_271, %dma_wait3A_296] : memref<1024x1024xi32, #tpu.memory_space<hbm>> -> memref<16x1024xi32, #tpu.memory_space<hbm>>
    %dma_wait3A_298 = arith.constant 16 : i32
    %dma_wait3A_299 = arith.constant 0 : i32
    %dma_wait3A_300 = tpu.memref_slice %arg4[%dma_wait3A_298, %dma_wait3A_299] : memref<32x1024xi32, #tpu.memory_space<vmem>> -> memref<16x1024xi32, #tpu.memory_space<vmem>>
    %dma_wait3A_301 = arith.constant 0 : i32
    %dma_wait3A_302 = tpu.memref_slice %arg2[%add3A_271, %dma_wait3A_301] : memref<1024x1024xi32, #tpu.memory_space<hbm>> -> memref<16x1024xi32, #tpu.memory_space<hbm>>
    tpu.wait_dma2 semaphore(%arg7 : memref<!tpu.dma_semaphore, #tpu.memory_space<semaphore_mem>>) src(%dma_wait3A_302 : memref<16x1024xi32, #tpu.memory_space<hbm>>) dst(%dma_wait3A_300 : memref<16x1024xi32, #tpu.memory_space<vmem>>)
    %parallel_loop3A_303 = arith.constant 0 : i32
    %parallel_loop3A_304 = arith.constant 1024 : i32
    %parallel_loop3A_305 = arith.constant 1 : i32
    scf.for %parallel_loop3A_306 = %parallel_loop3A_303 to %parallel_loop3A_304 step %parallel_loop3A_305  : i32 {
      %parallel_loop3A_307 = arith.constant 6 : i32
      %parallel_loop3A_308 = arith.shrsi %parallel_loop3A_306, %parallel_loop3A_307 : i32
      %parallel_loop3A_309 = arith.constant 16 : i32
      %parallel_loop3A_310 = arith.addi %parallel_loop3A_309, %parallel_loop3A_308 : i32
      %parallel_loop3A_311 = arith.constant 63 : i32
      %parallel_loop3A_312 = arith.andi %parallel_loop3A_306, %parallel_loop3A_311 : i32
      %parallel_loop3A_313 = arith.constant 16 : i32
      %parallel_loop3A_314 = arith.muli %parallel_loop3A_312, %parallel_loop3A_313 : i32
      %parallel_loop3A_315 = arith.index_cast %parallel_loop3A_310 : i32 to index
      %parallel_loop3A_316 = arith.index_cast %parallel_loop3A_314 : i32 to index
      %parallel_loop3A_317 = tpu.vector_load %arg4[%parallel_loop3A_315, %parallel_loop3A_316] {strides = array<i32>} : memref<32x1024xi32, #tpu.memory_space<vmem>>, vector<16xi32>,
      %parallel_loop3A_318 = arith.constant 7 : i32
      %parallel_loop3A_319 = arith.andi %parallel_loop3A_306, %parallel_loop3A_318 : i32
      %parallel_loop3A_320 = arith.constant 8 : i32
      %parallel_loop3A_321 = arith.shli %parallel_loop3A_319, %parallel_loop3A_320 : i32
      %parallel_loop3A_322 = arith.constant 16 : i32
      %parallel_loop3A_323 = vector.broadcast %parallel_loop3A_322 : i32 to vector<16xi32>
      %parallel_loop3A_324 = arith.muli %parallel_loop3A_317, %parallel_loop3A_323 : vector<16xi32>
      %parallel_loop3A_325 = arith.addi %parallel_loop3A_324, %iota3A : vector<16xi32>
      %parallel_loop3A_326 = vector.broadcast %parallel_loop3A_321 : i32 to vector<16xi32>
      %parallel_loop3A_327 = arith.addi %parallel_loop3A_325, %parallel_loop3A_326 : vector<16xi32>
      tpu.vector_store_idx %arg5[%parallel_loop3A_327], %broadcast_in_dim3A_269 {add = true} : memref<2048xf32, #tpu.memory_space<vmem>>[vector<16xi32>], vector<16xf32>,
    } {sc.loop_unroll_factor = 8 : i64, sc.parallel_access}
    "tpu.region"() ({
      %run_scoped3A = tpu.sem_alloc : memref<!tpu.dma_semaphore, #tpu.memory_space<semaphore_mem>>
      %dma_start3A_306 = arith.constant 0 : i32
      %dma_start3A_307 = tpu.memref_slice %arg3[%add3A, %dma_start3A_306] : memref<32x2048xf32, #tpu.memory_space<hbm>> -> memref<1x2048xf32, #tpu.memory_space<hbm>>
      %dma_start3A_308 = tpu.memref_squeeze %dma_start3A_307 : memref<1x2048xf32, #tpu.memory_space<hbm>> -> memref<2048xf32, #tpu.memory_space<hbm>>
      %dma_start3A_309 = arith.constant 0 : i32
      %dma_start3A_310 = tpu.memref_slice %arg3[%add3A, %dma_start3A_309] : memref<32x2048xf32, #tpu.memory_space<hbm>> -> memref<1x2048xf32, #tpu.memory_space<hbm>>
      %dma_start3A_311 = tpu.memref_squeeze %dma_start3A_310 : memref<1x2048xf32, #tpu.memory_space<hbm>> -> memref<2048xf32, #tpu.memory_space<hbm>>
      tpu.enqueue_dma source(%arg5 : memref<2048xf32, #tpu.memory_space<vmem>>) target(%dma_start3A_311 : memref<2048xf32, #tpu.memory_space<hbm>>) target_semaphore(%run_scoped3A : memref<!tpu.dma_semaphore, #tpu.memory_space<semaphore_mem>>)
      %dma_wait3A_312 = arith.constant 0 : i32
      %dma_wait3A_313 = tpu.memref_slice %arg3[%add3A, %dma_wait3A_312] : memref<32x2048xf32, #tpu.memory_space<hbm>> -> memref<1x2048xf32, #tpu.memory_space<hbm>>
      %dma_wait3A_314 = tpu.memref_squeeze %dma_wait3A_313 : memref<1x2048xf32, #tpu.memory_space<hbm>> -> memref<2048xf32, #tpu.memory_space<hbm>>
      %dma_wait3A_315 = arith.constant 0 : i32
      %dma_wait3A_316 = tpu.memref_slice %arg3[%add3A, %dma_wait3A_315] : memref<32x2048xf32, #tpu.memory_space<hbm>> -> memref<1x2048xf32, #tpu.memory_space<hbm>>
      %dma_wait3A_317 = tpu.memref_squeeze %dma_wait3A_316 : memref<1x2048xf32, #tpu.memory_space<hbm>> -> memref<2048xf32, #tpu.memory_space<hbm>>
      tpu.wait_dma2 semaphore(%run_scoped3A : memref<!tpu.dma_semaphore, #tpu.memory_space<semaphore_mem>>) src(%arg5 : memref<2048xf32, #tpu.memory_space<vmem>>) dst(%dma_wait3A_317 : memref<2048xf32, #tpu.memory_space<hbm>>)
      tpu.yield
    }) : () -> ()
    return
  }
}

module attributes {stable_mosaic.version = 14 : i64} {
  func.func @_proj_body(%arg0: memref<32x2048xf32, #tpu.memory_space<vmem>>, %arg1: memref<10x128xf32, #tpu.memory_space<vmem>>, %arg2: memref<128x128xf32, #tpu.memory_space<vmem>>, %arg3: memref<128xf32, #tpu.memory_space<vmem>>, %arg4: memref<1x128xf32, #tpu.memory_space<vmem>>) attributes {dimension_semantics = [], scalar_prefetch = 0 : i64, scratch_operands = 0 : i64, tpu.core_type = #tpu.core_type<tc>} {
    %get3A = arith.constant 0 : index
    %get3A_0 = arith.constant 0 : index
    %get3A_1 = vector.load %arg0[%get3A, %get3A_0] : memref<32x2048xf32, #tpu.memory_space<vmem>>, vector<32x2048xf32>
    %reduce_sum3A = arith.constant dense<0.000000e+00> : vector<2048xf32>
    %reduce_sum3A_2 = vector.multi_reduction <add>, %get3A_1, %reduce_sum3A [0] : vector<32x2048xf32> to vector<2048xf32>
    %broadcast_in_dim3A = vector.shape_cast %reduce_sum3A_2 : vector<2048xf32> to vector<1x2048xf32>
    %iota3A = tpu.iota {dimensions = array<i32: 0>} : vector<2048x16xi32>
    %iota3A_3 = tpu.iota {dimensions = array<i32: 1>} : vector<2048x16xi32>
    %shift_right_arithmetic3A = arith.constant 4 : i32
    %shift_right_arithmetic3A_4 = vector.broadcast %shift_right_arithmetic3A : i32 to vector<2048x16xi32>
    %shift_right_arithmetic3A_5 = arith.shrsi %iota3A, %shift_right_arithmetic3A_4 : vector<2048x16xi32>
    %and3A = arith.constant 15 : i32
    %and3A_6 = vector.broadcast %and3A : i32 to vector<2048x16xi32>
    %and3A_7 = arith.andi %shift_right_arithmetic3A_5, %and3A_6 : vector<2048x16xi32>
    %eq3A = arith.cmpi eq, %and3A_7, %iota3A_3 : vector<2048x16xi32>
    %jit3A = arith.constant 1.000000e+00 : f32
    %jit3A_8 = arith.constant 0.000000e+00 : f32
    %broadcast_in_dim3A_9 = vector.broadcast %jit3A : f32 to vector<2048x16xf32>
    %broadcast_in_dim3A_10 = vector.broadcast %jit3A_8 : f32 to vector<2048x16xf32>
    %select_n3A = arith.select %eq3A, %broadcast_in_dim3A_9, %broadcast_in_dim3A_10 : vector<2048x16xi1>, vector<2048x16xf32>
    %dot_general3A = arith.constant dense<0.000000e+00> : vector<1x16xf32>
    %dot_general3A_11 = tpu.matmul %broadcast_in_dim3A, %select_n3A, %dot_general3A {dimension_numbers = #tpu.dot_dimension_numbers<[1], [0], [0], [1], [0, 0, 1, 1], [], []>, transpose_lhs_hint = false} : vector<1x2048xf32>, vector<2048x16xf32>, vector<1x16xf32> -> vector<1x16xf32>
    %slice3A = vector.extract_strided_slice %dot_general3A_11 {offsets = [0, 0], sizes = [1, 10], strides = [1, 1]} : vector<1x16xf32> to vector<1x10xf32>
    %get3A_12 = arith.constant 0 : index
    %get3A_13 = arith.constant 0 : index
    %get3A_14 = vector.load %arg1[%get3A_12, %get3A_13] : memref<10x128xf32, #tpu.memory_space<vmem>>, vector<10x128xf32>
    %dot_general3A_15 = arith.constant dense<0.000000e+00> : vector<1x128xf32>
    %dot_general3A_16 = tpu.matmul %slice3A, %get3A_14, %dot_general3A_15 {dimension_numbers = #tpu.dot_dimension_numbers<[1], [0], [0], [1], [0, 0, 1, 1], [], []>, transpose_lhs_hint = false} : vector<1x10xf32>, vector<10x128xf32>, vector<1x128xf32> -> vector<1x128xf32>
    %mul3A = arith.constant 9.53674316E-7 : f32
    %mul3A_17 = vector.broadcast %mul3A : f32 to vector<1x128xf32>
    %mul3A_18 = arith.mulf %dot_general3A_16, %mul3A_17 : vector<1x128xf32>
    %get3A_19 = arith.constant 0 : index
    %get3A_20 = arith.constant 0 : index
    %get3A_21 = vector.load %arg2[%get3A_19, %get3A_20] : memref<128x128xf32, #tpu.memory_space<vmem>>, vector<128x128xf32>
    %dot_general3A_22 = arith.constant dense<0.000000e+00> : vector<1x128xf32>
    %dot_general3A_23 = tpu.matmul %mul3A_18, %get3A_21, %dot_general3A_22 {dimension_numbers = #tpu.dot_dimension_numbers<[1], [1], [0], [0], [0, 0, 1, 0], [], []>, transpose_lhs_hint = false} : vector<1x128xf32>, vector<128x128xf32>, vector<1x128xf32> -> vector<1x128xf32>
    %get3A_24 = arith.constant 0 : index
    %get3A_25 = vector.load %arg3[%get3A_24] : memref<128xf32, #tpu.memory_space<vmem>>, vector<128xf32>
    %broadcast_in_dim3A_26 = vector.shape_cast %get3A_25 : vector<128xf32> to vector<1x128xf32>
    %add3A = arith.addf %dot_general3A_23, %broadcast_in_dim3A_26 : vector<1x128xf32>
    %swap3A = arith.constant 0 : index
    %swap3A_27 = arith.constant 0 : index
    %swap3A_28 = vector.load %arg4[%swap3A, %swap3A_27] : memref<1x128xf32, #tpu.memory_space<vmem>>, vector<1x128xf32>
    tpu.vector_store %arg4[%swap3A, %swap3A_27], %add3A {strides = array<i32>} : memref<1x128xf32, #tpu.memory_space<vmem>>, vector<1x128xf32>,
    return
  }
}

</mosaic_0001>

<sc_bundles>
// kernel: kernel.4.cloned.1.call-start
scs
__scs_entry_jumppad:
0x0: {  	(pc) =	sbr.rel $0x88, $3  }
0x1: {  	(tag) =	ssettag $0x0;
	lr =	simm.s32 $0x1  }
0x2: {  	[smem:$0x3F9D] =	sst lr;
	_ =	strace $0xD0000000  }
0x3: {  	_ = 	snop  }
0x4: {  	_ = 	snop  }
0x5: {  	_ = 	snop  }
0x6: {  	_ = 	snop  }
0x7: {  	_ = 	snop  }
__scs_overlays_trampoline_lowered:
0x8: {  	[smem:$0x3FAC] =	sst s0  }
0x9: {  	[smem:$0x3FAD] =	sst s1  }
0xa: {  	[smem:$0x3FAE] =	sst s2  }
0xb: {  	[smem:$0x3FAF] =	sst s3  }
0xc: {  	[smem:$0x3FB0] =	sst s4  }
0xd: {  	[smem:$0x3FB1] =	sst s5  }
0xe: {  	[smem:$0x3FB2] =	sst s6  }
0xf: {  	[smem:$0x3FB3] =	sst s7  }
0x10: {  	[smem:$0x3FB4] =	sst s8  }
0x11: {  	[smem:$0x3FB5] =	sst s9;
	s0 =	simm.s32 @!p0 $0x0  }
0x12: {  	s1 =	sld [smem:$0x3F9B];
	s0 =	simm.s32 @p0 $0x1  }
0x13: {  	[smem:$0x3FB6] =	sst s0;
	s0 =	simm.s32 @!p1 $0x0  }
0x14: {  	s2 =	sld [smem:$0x3F9A];
	s0 =	simm.s32 @p1 $0x1  }
0x15: {  	[smem:$0x3FB7] =	sst s0;
	s0 =	simm.s32 @!p2 $0x0  }
0x16: {  	s3 =	sld [smem:$0x3FDB];
	s0 =	simm.s32 @p2 $0x1  }
0x17: {  	s4 =	simm.s32 $0x1BF5;
	[smem:$0x3FB9] =	sst s0  }
0x18: {  	s0 =	sld [smem:$0x3F9C];
	_ =	swait.ge [sflag:s4], $0x0  }
0x19: {  	s7 =	sld [smem:$0x3F9D]  }
0x1a: {  	s8 =	sadd.s32 $0xFFFFE003, lr  }
0x1b: {  	s9 =	sadd.s32 $0xFFFFFEF7, lr;
	s5 =	simm.s32 $0xFFFFFFFF;
	p2 =	slt.u32 s8, $0xFFFFF086  }
0x1c: {  	p1 =	slt.u32 s9, $0xF7A;
	s5 =	simm.s32 @!p2 $0x0  }
0x1d: {  	s5 =	simm.s32 @p1 $0x1;
	p0 =	seq.s32 s7, s2  }
0x1e: {  	s7 =	smul.u32 @!p0 $0xF7A, s2;
	p2 =	seq.s32 @!p0 s5, $0x0  }
0x1f: {  	s9 =	smul.u32 $0xF7A, s1;
	s8 =	simm.s32 @!p0 $0x1BF5;
	p2 =	por !p2, p0  }
0x20: {  	[sflag:s8] =	ssyncset.s32 @!p0 $0xFFFFF086;
	s6 =	sadd.s32 @!p0 s3, s7;
	s7 =	simm.s32 @!p0 $0x108  }
0x21: {  	s3 =	sadd.s32 s3, s9;
	s6 =	sadd.s32 @!p0 $0x88, s6;
	s7 =	simm.s32 @p2 $0x1082  }
0x22: {  	[simem:s7], [sflag:s8] =	dma.local @!p0 [hbm:s6], $0xF7A  }
0x23: {  	s9 =	sor.u32 $0xD0000000, s2;
	s6 =	simm.s32 $0x108;
	_ =	swait.ge @!p0 [sflag:s8], $0x0  }
0x24: {  	s3 =	sadd.s32 $0x88, s3;
	s6 =	simm.s32 @!p1 $0x1082;
	[sflag:s4] =	ssyncset.s32 $0xFFFFF086  }
0x25: {  	[simem:s6], [sflag:s4] =	dma.local [hbm:s3], $0xF7A  }
0x26: {  	[smem:$0x3F9D] =	sst s1;
	(tag) =	ssettag s2;
	_ =	strace s9  }
0x27: {  	s1 =	sld [smem:$0x3FAD]  }
0x28: {  	s2 =	sld [smem:$0x3FAE]  }
0x29: {  	s4 =	sld [smem:$0x3FB0]  }
0x2a: {  	p0 =	seq.s32 s5, $0x0;
	s5 =	sld [smem:$0x3FB1]  }
0x2b: {  	s6 =	sld [smem:$0x3FB2]  }
0x2c: {  	s7 =	sld [smem:$0x3FB3]  }
0x2d: {  	s3 =	simm.s32 $0x108;
	s8 =	sld [smem:$0x3FB4]  }
0x2e: {  	s3 =	simm.s32 @!p0 $0x1082;
	s9 =	sld [smem:$0x3FB5]  }
0x2f: {  	lr =	sadd.s32 s0, s3;
	s0 =	sld [smem:$0x3FAC]  }
0x30: {  	s3 =	sld [smem:$0x3FAF]  }
0x31: {  	[smem:$0x3FB8] =	sst s10  }
0x32: {  	s10 =	sld [smem:$0x3FB6];
	_ =	sdelay $0x3  }
0x33: {  	p0 =	seq.s32 s10, $0x1;
	s10 =	sld [smem:$0x3FB8];
	_ =	sdelay $0x3  }
0x34: {  	[smem:$0x3FB8] =	sst s10  }
0x35: {  	s10 =	sld [smem:$0x3FB7];
	_ =	sdelay $0x3  }
0x36: {  	p1 =	seq.s32 s10, $0x1;
	s10 =	sld [smem:$0x3FB8];
	_ =	sdelay $0x3  }
0x37: {  	[smem:$0x3FB8] =	sst s10  }
0x38: {  	s10 =	sld [smem:$0x3FB9]  }
0x39: {  	_ = 	snop;
	(pc) =	sbr.ind lr, $3  }
0x3a: {  	_ = 	snop  }
0x3b: {  	_ = 	snop  }
0x3c: {  	p2 =	seq.s32 s10, $0x1;
	s10 =	sld [smem:$0x3FB8]  }
0x3d: {  	_ =	shalt  }
0x3e: {  	_ =	shalt  }
0x3f: {  	_ =	shalt  }
0x40: {  	_ =	shalt  }
0x41: {  	_ =	shalt  }
0x42: {  	_ =	shalt  }
0x43: {  	_ =	shalt  }
0x44: {  	_ =	shalt  }
0x45: {  	_ =	shalt  }
0x46: {  	_ =	shalt  }
0x47: {  	_ =	shalt  }
0x48: {  	_ =	shalt  }
0x49: {  	_ =	shalt  }
0x4a: {  	_ =	shalt  }
0x4b: {  	_ =	shalt  }
0x4c: {  	_ =	shalt  }
0x4d: {  	_ =	shalt  }
0x4e: {  	_ =	shalt  }
0x4f: {  	_ =	shalt  }
0x50: {  	_ =	shalt  }
0x51: {  	_ =	shalt  }
0x52: {  	_ =	shalt  }
0x53: {  	_ =	shalt  }
0x54: {  	_ =	shalt  }
0x55: {  	_ =	shalt  }
0x56: {  	_ =	shalt  }
0x57: {  	_ =	shalt  }
0x58: {  	_ =	shalt  }
0x59: {  	_ =	shalt  }
0x5a: {  	_ =	shalt  }
0x5b: {  	_ =	shalt  }
0x5c: {  	_ =	shalt  }
0x5d: {  	_ =	shalt  }
0x5e: {  	_ =	shalt  }
0x5f: {  	_ =	shalt  }
0x60: {  	_ =	shalt  }
0x61: {  	_ =	shalt  }
0x62: {  	_ =	shalt  }
0x63: {  	_ =	shalt  }
0x64: {  	_ =	shalt  }
0x65: {  	_ =	shalt  }
0x66: {  	_ =	shalt  }
0x67: {  	_ =	shalt  }
0x68: {  	_ =	shalt  }
0x69: {  	_ =	shalt  }
0x6a: {  	_ =	shalt  }
0x6b: {  	_ =	shalt  }
0x6c: {  	_ =	shalt  }
0x6d: {  	_ =	shalt  }
0x6e: {  	_ =	shalt  }
0x6f: {  	_ =	shalt  }
0x70: {  	_ =	shalt  }
0x71: {  	_ =	shalt  }
0x72: {  	_ =	shalt  }
0x73: {  	_ =	shalt  }
0x74: {  	_ =	shalt  }
0x75: {  	_ =	shalt  }
0x76: {  	_ =	shalt  }
0x77: {  	_ =	shalt  }
0x78: {  	_ =	shalt  }
0x79: {  	_ =	shalt  }
0x7a: {  	_ =	shalt  }
0x7b: {  	_ =	shalt  }
0x7c: {  	_ =	shalt  }
0x7d: {  	_ =	shalt  }
0x7e: {  	_ =	shalt  }
0x7f: {  	_ =	shalt  }
0x80: {  	_ =	shalt  }
0x81: {  	_ =	shalt  }
0x82: {  	_ =	shalt  }
0x83: {  	_ =	shalt  }
0x84: {  	_ =	shalt  }
0x85: {  	_ =	shalt  }
0x86: {  	_ =	shalt  }
0x87: {  	_ =	shalt  }
.Lfunc_end0:
.L_simem_size_0:
called_computation_lowered:
.L_overlay_start_0:
0x88: {  	s2 =	sld [smem:$0x3FD9]  }
0x89: {  	s3 =	sld [smem:$0x3FFE];
	_ =	sdelay $0x1  }
0x8a: {  	s1 =	srdreg.scid  }
0x8b: {  	s0 =	sand.u32 $0x1, s1  }
0x8c: {  	s17 =	sshll.u32 s0, $0xA;
	s2 =	sadd.s32 s3, s2  }
0x8d: {  	s2 =	sadd.s32 s2, s17  }
0x8e: {  	[smem:$0x3FC4] =	sst s2  }
0x8f: {  	_ = 	snop  }
0x90: {  	s2 =	sld [smem:$0x3FC9];
	(tm) =	ssettm $0x1  }
0x91: {  	s18 =	sld [smem:$0x3FFB];
	_ =	sdelay $0x3  }
0x92: {  	_ =	strace s18  }
0x93: {  	s3 =	sld [smem:$0x3FFC];
	_ =	sdelay $0x3  }
0x94: {  	_ =	strace s3  }
0x95: {  	s3 =	sld [smem:$0x3FFD];
	_ =	sdelay $0x3  }
0x96: {  	_ =	strace s3  }
0x97: {  	_ =	strace $0x8FFFFFFF  }
0x98: {  	s19 =	sld [smem:$0x3FDB];
	_ =	sdelay $0x1  }
0x99: {  	s4 =	simm.s32 $_scs_section_size  }
0x9a: {  	s5 =	simm.s32 $_size__tile_overlayer_lowered;
	s6 =	simm.s32 $_tile_overlayer_lowered  }
0x9b: {  	s22 =	simm.s32 $0x1BFF;
	s21 =	sshll.u32 s6, $0x1;
	s3 =	sadd.s32 s4, s19  }
0x9c: {  	s7 =	simm.s32 $0x0;
	s20 =	sshll.u32 s5, $0x1;
	s5 =	sadd.s32 s21, s3  }
0x9d: {  	[timem:s7], [sflag:s22] =	dma.local [hbm:s5], s20  }
0x9e: {  	_ =	swait.ge [sflag:s22], s20  }
0x9f: {  	s4 =	ssub.s32 $0x0, s20;
	[sflag:s22] =	ssyncset.done $0x0  }
0xa0: {  	[sflag:s22] =	ssyncadd.s32 s4;
	_ =	sdelay $0x1  }
0xa1: {  	s23 =	simm.s32 $0x1B8B  }
0xa2: {  	_ =	swait.ge [sflag:s23], $0x1  }
0xa3: {  	[sflag:s23] =	ssyncset.done $0x0  }
0xa4: {  	s25 =	simm.s32 $0x1B8E;
	s24 =	sld [smem:$0x3FFE];
	[sflag:s23] =	ssyncadd.s32 $0xFFFFFFFF  }
0xa5: {  	s26 =	simm.s32 $execute0_lowered;
	[smem:$0x3FD2] =	sst s25  }
0xa6: {  	s5 =	sshll.u32 s26, $0x1;
	_ =	strace $0x80000046;
	[dreg:$0x1] =	wrdreg $0xFFFFFFFF  }
0xa7: {  	s28 =	simm.s32 $_size_execute0_lowered;
	s3 =	sadd.s32 s3, s5;
	[dreg:$0x0] =	wrdreg $0x0  }
0xa8: {  	s5 =	sshll.u32 s28, $0x1;
	[dreg:$0x2] =	wrdreg s3  }
0xa9: {  	[dreg:$0x3] =	wrdreg s5  }
0xaa: {  	[dreg:$0x4] =	wrdreg $0xC0  }
0xab: {  	_ =	task [dreg:s7], $0x5FFFF  }
0xac: {  	[dreg:$0x1] =	wrdreg $0xFFFFFFFF  }
0xad: {  	[dreg:$0x0] =	wrdreg $0x60  }
0xae: {  	[dreg:$0x2] =	wrdreg s2  }
0xaf: {  	[dreg:$0x3] =	wrdreg s24  }
0xb0: {  	[dreg:$0x4] =	wrdreg $0x9  }
0xb1: {  	_ =	task.clear_ibuf [dreg:s7], $0x5FFFF;
	_ =	strace $0x90000046  }
0xb2: {  	s29 =	simm.s32 $0x9;
	_ =	strace $0x80000048  }
0xb3: {  	_ =	swait.ge [sflag:s29], $0x1  }
0xb4: {  	[sflag:s29] =	ssyncadd.s32 $0xFFFFFFFF  }
0xb5: {  	_ =	strace $0x90000048  }
0xb6: {  	_ =	sfence  }
0xb7: {  	s30 =	sld [smem:$0x0];
	_ =	sdelay $0x2  }
0xb8: {  	s31 =	sshll.u32 s1, $0xD;
	s1 =	sshrl.u32 s1, $0x2  }
0xb9: {  	s3 =	sand.u32 $0x4000, s31;
	s1 =	sadd.s32 s1, s30  }
0xba: {  	s0 =	sor.u32 s3, s0;
	s1 =	sshll.u32 s1, $0x11  }
0xbb: {  	s0 =	sor.u32 s1, s0  }
0xbc: {  	s0 =	sadd.s32 $0x8F2B, s0  }
0xbd: {  	[sflag:s0] =	ssyncadd.remote.s32 $0x1  }
0xbe: {  	_ =	sfence.sel $0xFFFF  }
0xbf: {  	[dreg:$0x0] =	wrdreg $0xFFFFFFFF;
	(pc) =	sbr.abs _section_cstart, $3  }
0xc0: {  	[dreg:$0x1] =	wrdreg $0xFFFFFFFF  }
0xc1: {  	_ =	task.clear_ibuf [dreg:s7], $0x2FFFF;
	_ =	strace $0x9FFFFFFF  }
0xc2: {  	(tm) =	ssettm $0x7FFFFFFF  }
0xc3: {  	_ =	shalt  }
tec
execute0_lowered:
.L_overlay_start_1:
0x0: {  	(tag) =	ssettag $0x1  }
0x1: {  	s3 =	rddreg [dreg:$0x0]  }
0x2: {  	s4 =	rddreg [dreg:$0x1];
	s2 =	srdreg.scid  }
0x3: {  	s0 =	rddreg [dreg:$0x2];
	s1 =	stileid.u32;
	s9 =	simm.s32 $0x8000  }
0x4: {  	s10 =	simm.s32 $0x2;
	s11 =	simm.s32 $0x80;
	s12 =	simm.s32 $0x400  }
0x5: {  	s13 =	simm.s32 $0x3;
	s14 =	simm.s32 $0x0;
	s5 =	sand.u32 $0x1, s2  }
0x6: {  	s2 =	simm.s32 $0x0;
	s6 =	sshll.u32 s1, $0x4;
	s7 =	sshll.u32 s5, $0x4  }
0x7: {  	[smem:$0x7FF] =	sst s2;
	s6 =	sand.u32 $0x70, s6;
	s5 =	ssub.s32 $0x2, s5  }
0x8: {  	s7 =	sor.u32 s1, s7;
	_ =	strace $0x80000047;
	s4 =	sadd.s32 s6, s4  }
0x9: {  	v0 =	vlaneseq.u32;
	s8 =	sshrl.u32 s5, $0x1;
	s30 =	sshll.u32 s7, $0x8;
	s7 =	sshll.u32 s7, $0xC  }
0xa: {  	v1 =	vimm.f32 $0.0e+00;
	v2 =	vimm.f32 $1.000000000e+00;
	v3 =	vor.u32 $0x100, v0;
	s31 =	ssub.s32 s5, s8;
	s8 =	simm.s32 $0x1;
	s6 =	sand.u32 $0x1800, s30  }
0xb: {  	v4 =	vor.u32 $0x200, v0;
	v5 =	vor.u32 $0x300, v0;
	v6 =	vor.u32 $0x400, v0;
	s3 =	sadd.s32 s3, s7;
	s7 =	simm.s32 $0x4000;
	s6 =	sadd.s32 s6, s4  }
0xc: {  	v7 =	vor.u32 $0x500, v0;
	v8 =	vor.u32 $0x600, v0;
	v9 =	vor.u32 $0x700, v0;
	s4 =	sadd.s32 $0x800, s3;
	s5 =	sadd.s32 $0xC00, s6;
	s6 =	smax.u32 s31, $0x1  }
.LBB2_1:
0xd: {  	[tilespmem:s2], [sflag:$0x1] =	stream.linear.gather [hbm4b:s3+s2], $0x4000, $0x38;
	[tilespmem:$0x8800] =	vst v63  }
0xe: {  	[tilespmem:$0x8000] =	vst v1  }
0xf: {  	[tilespmem:$0x8010] =	vst v1  }
0x10: {  	[tilespmem:$0x8020] =	vst v1  }
0x11: {  	[tilespmem:$0x8030] =	vst v1  }
0x12: {  	[tilespmem:$0x8040] =	vst v1  }
0x13: {  	[tilespmem:$0x8050] =	vst v1  }
0x14: {  	[tilespmem:$0x8060] =	vst v1  }
0x15: {  	[tilespmem:$0x8070] =	vst v1  }
0x16: {  	[tilespmem:$0x8080] =	vst v1  }
0x17: {  	[tilespmem:$0x8090] =	vst v1  }
0x18: {  	[tilespmem:$0x80A0] =	vst v1  }
0x19: {  	[tilespmem:$0x80B0] =	vst v1  }
0x1a: {  	[tilespmem:$0x80C0] =	vst v1  }
0x1b: {  	[tilespmem:$0x80D0] =	vst v1  }
0x1c: {  	[tilespmem:$0x80E0] =	vst v1  }
0x1d: {  	[tilespmem:$0x80F0] =	vst v1  }
0x1e: {  	[tilespmem:$0x8100] =	vst v1  }
0x1f: {  	[tilespmem:$0x8110] =	vst v1  }
0x20: {  	[tilespmem:$0x8120] =	vst v1  }
0x21: {  	[tilespmem:$0x8130] =	vst v1  }
0x22: {  	[tilespmem:$0x8140] =	vst v1  }
0x23: {  	[tilespmem:$0x8150] =	vst v1  }
0x24: {  	[tilespmem:$0x8160] =	vst v1  }
0x25: {  	[tilespmem:$0x8170] =	vst v1  }
0x26: {  	[tilespmem:$0x8180] =	vst v1  }
0x27: {  	[tilespmem:$0x8190] =	vst v1  }
0x28: {  	[tilespmem:$0x81A0] =	vst v1  }
0x29: {  	[tilespmem:$0x81B0] =	vst v1  }
0x2a: {  	[tilespmem:$0x81C0] =	vst v1  }
0x2b: {  	[tilespmem:$0x81D0] =	vst v1  }
0x2c: {  	[tilespmem:$0x81E0] =	vst v1  }
0x2d: {  	[tilespmem:$0x81F0] =	vst v1  }
0x2e: {  	[tilespmem:$0x8200] =	vst v1  }
0x2f: {  	[tilespmem:$0x8210] =	vst v1  }
0x30: {  	[tilespmem:$0x8220] =	vst v1  }
0x31: {  	[tilespmem:$0x8230] =	vst v1  }
0x32: {  	[tilespmem:$0x8240] =	vst v1  }
0x33: {  	[tilespmem:$0x8250] =	vst v1  }
0x34: {  	[tilespmem:$0x8260] =	vst v1  }
0x35: {  	[tilespmem:$0x8270] =	vst v1  }
0x36: {  	[tilespmem:$0x8280] =	vst v1  }
0x37: {  	[tilespmem:$0x8290] =	vst v1  }
0x38: {  	[tilespmem:$0x82A0] =	vst v1  }
0x39: {  	[tilespmem:$0x82B0] =	vst v1  }
0x3a: {  	[tilespmem:$0x82C0] =	vst v1  }
0x3b: {  	[tilespmem:$0x82D0] =	vst v1  }
0x3c: {  	[tilespmem:$0x82E0] =	vst v1  }
0x3d: {  	[tilespmem:$0x82F0] =	vst v1  }
0x3e: {  	[tilespmem:$0x8300] =	vst v1  }
0x3f: {  	[tilespmem:$0x8310] =	vst v1  }
0x40: {  	[tilespmem:$0x8320] =	vst v1  }
0x41: {  	[tilespmem:$0x8330] =	vst v1  }
0x42: {  	[tilespmem:$0x8340] =	vst v1  }
0x43: {  	[tilespmem:$0x8350] =	vst v1  }
0x44: {  	[tilespmem:$0x8360] =	vst v1  }
0x45: {  	[tilespmem:$0x8370] =	vst v1  }
0x46: {  	[tilespmem:$0x8380] =	vst v1  }
0x47: {  	[tilespmem:$0x8390] =	vst v1  }
0x48: {  	[tilespmem:$0x83A0] =	vst v1  }
0x49: {  	[tilespmem:$0x83B0] =	vst v1  }
0x4a: {  	[tilespmem:$0x83C0] =	vst v1  }
0x4b: {  	[tilespmem:$0x83D0] =	vst v1  }
0x4c: {  	[tilespmem:$0x83E0] =	vst v1  }
0x4d: {  	[tilespmem:$0x83F0] =	vst v1  }
0x4e: {  	[tilespmem:$0x8400] =	vst v1  }
0x4f: {  	[tilespmem:$0x8410] =	vst v1  }
0x50: {  	[tilespmem:$0x8420] =	vst v1  }
0x51: {  	[tilespmem:$0x8430] =	vst v1  }
0x52: {  	[tilespmem:$0x8440] =	vst v1  }
0x53: {  	[tilespmem:$0x8450] =	vst v1  }
0x54: {  	[tilespmem:$0x8460] =	vst v1  }
0x55: {  	[tilespmem:$0x8470] =	vst v1  }
0x56: {  	[tilespmem:$0x8480] =	vst v1  }
0x57: {  	[tilespmem:$0x8490] =	vst v1  }
0x58: {  	[tilespmem:$0x84A0] =	vst v1  }
0x59: {  	[tilespmem:$0x84B0] =	vst v1  }
0x5a: {  	[tilespmem:$0x84C0] =	vst v1  }
0x5b: {  	[tilespmem:$0x84D0] =	vst v1  }
0x5c: {  	[tilespmem:$0x84E0] =	vst v1  }
0x5d: {  	[tilespmem:$0x84F0] =	vst v1  }
0x5e: {  	[tilespmem:$0x8500] =	vst v1  }
0x5f: {  	[tilespmem:$0x8510] =	vst v1  }
0x60: {  	[tilespmem:$0x8520] =	vst v1  }
0x61: {  	[tilespmem:$0x8530] =	vst v1  }
0x62: {  	[tilespmem:$0x8540] =	vst v1  }
0x63: {  	[tilespmem:$0x8550] =	vst v1  }
0x64: {  	[tilespmem:$0x8560] =	vst v1  }
0x65: {  	[tilespmem:$0x8570] =	vst v1  }
0x66: {  	[tilespmem:$0x8580] =	vst v1  }
0x67: {  	[tilespmem:$0x8590] =	vst v1  }
0x68: {  	[tilespmem:$0x85A0] =	vst v1  }
0x69: {  	[tilespmem:$0x85B0] =	vst v1  }
0x6a: {  	[tilespmem:$0x85C0] =	vst v1  }
0x6b: {  	[tilespmem:$0x85D0] =	vst v1  }
0x6c: {  	[tilespmem:$0x85E0] =	vst v1  }
0x6d: {  	[tilespmem:$0x85F0] =	vst v1  }
0x6e: {  	[tilespmem:$0x8600] =	vst v1  }
0x6f: {  	[tilespmem:$0x8610] =	vst v1  }
0x70: {  	[tilespmem:$0x8620] =	vst v1  }
0x71: {  	[tilespmem:$0x8630] =	vst v1  }
0x72: {  	[tilespmem:$0x8640] =	vst v1  }
0x73: {  	[tilespmem:$0x8650] =	vst v1  }
0x74: {  	[tilespmem:$0x8660] =	vst v1  }
0x75: {  	[tilespmem:$0x8670] =	vst v1  }
0x76: {  	[tilespmem:$0x8680] =	vst v1  }
0x77: {  	[tilespmem:$0x8690] =	vst v1  }
0x78: {  	[tilespmem:$0x86A0] =	vst v1  }
0x79: {  	[tilespmem:$0x86B0] =	vst v1  }
0x7a: {  	[tilespmem:$0x86C0] =	vst v1  }
0x7b: {  	[tilespmem:$0x86D0] =	vst v1  }
0x7c: {  	[tilespmem:$0x86E0] =	vst v1  }
0x7d: {  	[tilespmem:$0x86F0] =	vst v1  }
0x7e: {  	[tilespmem:$0x8700] =	vst v1  }
0x7f: {  	[tilespmem:$0x8710] =	vst v1  }
0x80: {  	[tilespmem:$0x8720] =	vst v1  }
0x81: {  	[tilespmem:$0x8730] =	vst v1  }
0x82: {  	[tilespmem:$0x8740] =	vst v1  }
0x83: {  	[tilespmem:$0x8750] =	vst v1  }
0x84: {  	[tilespmem:$0x8760] =	vst v1  }
0x85: {  	[tilespmem:$0x8770] =	vst v1  }
0x86: {  	[tilespmem:$0x8780] =	vst v1  }
0x87: {  	[tilespmem:$0x8790] =	vst v1  }
0x88: {  	[tilespmem:$0x87A0] =	vst v1  }
0x89: {  	[tilespmem:$0x87B0] =	vst v1  }
0x8a: {  	[tilespmem:$0x87C0] =	vst v1  }
0x8b: {  	[tilespmem:$0x87D0] =	vst v1  }
0x8c: {  	[tilespmem:$0x87E0] =	vst v1  }
0x8d: {  	s15 =	simm.s32 $0x0;
	s16 =	sand.u32 $0x1C00, s2;
	[tilespmem:$0x87F0] =	vst v1  }
0x8e: {  	[tilespmem:s7], [sflag:$0x2] =	stream.linear.gather [hbm4b:s4+s2], $0x4000, $0x38;
	[tilespmem:$0x8800] =	vst v63  }
0x8f: {  	s17 =	simm.s32 $0x0;
	s15 =	sand.u32 $0x2000, s15;
	_ =	swait.ge [sflag:s8], $0x4000  }
0x90: {  	s17 =	sand.u32 $0x380, s17;
	s15 =	sor.u32 s16, s15;
	[sflag:s8] =	ssyncset.done $0x0  }
0x91: {  	s16 =	sor.u32 s17, s15;
	[sflag:s8] =	ssyncadd.s32 $0xFFFFC000  }
0x92: {  	v10 =	vld [tilespmem:s16+$0x70]  }
0x93: {  	v11 =	vld [tilespmem:s16+$0x0]  }
0x94: {  	v12 =	vld [tilespmem:s16+$0x10]  }
0x95: {  	v15 =	vld [tilespmem:s16+$0x20];
	_ =	sdelay $0x1  }
0x96: {  	v17 =	vld [tilespmem:s16+$0x30]  }
0x97: {  	v18 =	vld [tilespmem:s16+$0x40];
	v10 =	vshll.u32 v10, $0x4  }
0x98: {  	v16 =	vld [tilespmem:s16+$0x50];
	v11 =	vshll.u32 v11, $0x4;
	v14 =	vadd.s32 v9, v10  }
0x99: {  	v13 =	vor.u32 v0, v11;
	v10 =	vshll.u32 v12, $0x4;
	v11 =	vshll.u32 v15, $0x4;
	v15 =	vld [tilespmem:s16+$0x60]  }
0x9a: {  	v10 =	vadd.s32 v3, v10  }
0x9b: {  	v12 =	vshll.u32 v17, $0x4;
	v11 =	vadd.s32 v4, v11  }
0x9c: {  	s15 =	simm.s32 $0x0;
	v17 =	vshll.u32 v18, $0x4;
	s16 =	simm.s32 $0x0;
	v12 =	vadd.s32 v5, v12  }
.LBB2_2:
0x9d: {  	s15 =	sadd.s32 $0x8, s15;
	v17 =	vadd.s32 v6, v17;
	v16 =	vshll.u32 v16, $0x4;
	[tilespmem:v14+s9+$0x0] =	vst.idx.add.f32.msk $0xffff, v2  }
0x9e: {  	s16 =	sadd.s32 $0x400, s16;
	s17 =	sshll.u32 s15, $0x4;
	p0 =	slt.u32 s15, $0x3F8;
	[tilespmem:v13+s9+$0x0] =	vst.idx.add.f32.msk $0xffff, v2;
	v18 =	vadd.s32 v7, v16;
	v13 =	vshll.u32 v15, $0x4  }
0x9f: {  	s18 =	sand.u32 $0x1C00, s16;
	s19 =	sshll.u32 s15, $0x1;
	s17 =	sand.u32 $0x2000, s17;
	[tilespmem:v10+s9+$0x0] =	vst.idx.add.f32.msk $0xffff, v2;
	v19 =	vadd.s32 v8, v13  }
0xa0: {  	s19 =	sand.u32 $0x380, s19;
	s17 =	sor.u32 s18, s17;
	[tilespmem:v11+s9+$0x0] =	vst.idx.add.f32.msk $0xffff, v2  }
0xa1: {  	s17 =	sor.u32 s19, s17;
	[tilespmem:v12+s9+$0x0] =	vst.idx.add.f32.msk $0xffff, v2  }
0xa2: {  	v10 =	vld [tilespmem:s17+$0x70]  }
0xa3: {  	v11 =	vld [tilespmem:s17+$0x0]  }
0xa4: {  	v12 =	vld [tilespmem:s17+$0x10]  }
0xa5: {  	v20 =	vld [tilespmem:s17+$0x20]  }
0xa6: {  	v21 =	vld [tilespmem:s17+$0x30]  }
0xa7: {  	v22 =	vld [tilespmem:s17+$0x40];
	v10 =	vshll.u32 v10, $0x4  }
.Ltmp0:
0xa8: {  	v11 =	vshll.u32 v11, $0x4;
	v16 =	vld [tilespmem:s17+$0x50];
	v14 =	vadd.s32 v9, v10;
	(pc) =	sbr.rel @p0 .LBB2_2-.Ltmp0, $4  }
0xa9: {  	v13 =	vor.u32 v0, v11;
	v10 =	vshll.u32 v12, $0x4;
	v15 =	vld [tilespmem:s17+$0x60]  }
0xaa: {  	v10 =	vadd.s32 v3, v10;
	v11 =	vshll.u32 v20, $0x4;
	[tilespmem:v17+s9+$0x0] =	vst.idx.add.f32.msk $0xffff, v2  }
0xab: {  	v11 =	vadd.s32 v4, v11;
	v12 =	vshll.u32 v21, $0x4;
	[tilespmem:v18+s9+$0x0] =	vst.idx.add.f32.msk $0xffff, v2  }
0xac: {  	v12 =	vadd.s32 v5, v12;
	v17 =	vshll.u32 v22, $0x4;
	[tilespmem:v19+s9+$0x0] =	vst.idx.add.f32.msk $0xffff, v2  }
0xad: {  	_ =	sdelay $0x3  }
0xae: {  	v17 =	vadd.s32 v6, v17;
	v16 =	vshll.u32 v16, $0x4;
	[tilespmem:v14+s9+$0x0] =	vst.idx.add.f32.msk $0xffff, v2  }
0xaf: {  	[tilespmem:v13+s9+$0x0] =	vst.idx.add.f32.msk $0xffff, v2;
	v13 =	vadd.s32 v7, v16;
	v14 =	vshll.u32 v15, $0x4  }
0xb0: {  	[tilespmem:v10+s9+$0x0] =	vst.idx.add.f32.msk $0xffff, v2;
	v10 =	vadd.s32 v8, v14  }
0xb1: {  	[tilespmem:v11+s9+$0x0] =	vst.idx.add.f32.msk $0xffff, v2  }
0xb2: {  	[tilespmem:v12+s9+$0x0] =	vst.idx.add.f32.msk $0xffff, v2  }
0xb3: {  	[tilespmem:v17+s9+$0x0] =	vst.idx.add.f32.msk $0xffff, v2  }
0xb4: {  	[tilespmem:v13+s9+$0x0] =	vst.idx.add.f32.msk $0xffff, v2  }
0xb5: {  	s15 =	simm.s32 $0x0;
	s16 =	simm.s32 $0x0;
	s18 =	simm.s32 $0x0;
	[tilespmem:v10+s9+$0x0] =	vst.idx.add.f32.msk $0xffff, v2  }
0xb6: {  	s16 =	sand.u32 $0x2000, s16;
	s17 =	sand.u32 $0x1C00, s15;
	_ =	swait.ge [sflag:s10], $0x4000  }
0xb7: {  	s18 =	sand.u32 $0x380, s18;
	s16 =	sor.u32 s17, s16;
	[sflag:s10] =	ssyncset.done $0x0  }
0xb8: {  	s17 =	sor.u32 s18, s16;
	[sflag:s10] =	ssyncadd.s32 $0xFFFFC000  }
0xb9: {  	v10 =	vld [tilespmem:s17+$0x4070]  }
0xba: {  	v11 =	vld [tilespmem:s17+$0x4000]  }
0xbb: {  	v12 =	vld [tilespmem:s17+$0x4010]  }
0xbc: {  	v15 =	vld [tilespmem:s17+$0x4020];
	_ =	sdelay $0x1  }
0xbd: {  	v17 =	vld [tilespmem:s17+$0x4030]  }
0xbe: {  	v18 =	vld [tilespmem:s17+$0x4040];
	v10 =	vshll.u32 v10, $0x4  }
0xbf: {  	v16 =	vld [tilespmem:s17+$0x4050];
	v11 =	vshll.u32 v11, $0x4;
	v14 =	vadd.s32 v9, v10  }
0xc0: {  	v13 =	vor.u32 v0, v11;
	v10 =	vshll.u32 v12, $0x4;
	v11 =	vshll.u32 v15, $0x4;
	v15 =	vld [tilespmem:s17+$0x4060]  }
0xc1: {  	v10 =	vadd.s32 v3, v10  }
0xc2: {  	v12 =	vshll.u32 v17, $0x4;
	v11 =	vadd.s32 v4, v11  }
0xc3: {  	s16 =	simm.s32 $0x0;
	v17 =	vshll.u32 v18, $0x4;
	v12 =	vadd.s32 v5, v12  }
.LBB2_4:
0xc4: {  	s16 =	sadd.s32 $0x8, s16;
	v17 =	vadd.s32 v6, v17;
	v16 =	vshll.u32 v16, $0x4;
	[tilespmem:v14+s9+$0x0] =	vst.idx.add.f32.msk $0xffff, v2  }
0xc5: {  	s15 =	sadd.s32 $0x400, s15;
	s17 =	sshll.u32 s16, $0x4;
	p0 =	slt.u32 s16, $0x3F8;
	[tilespmem:v13+s9+$0x0] =	vst.idx.add.f32.msk $0xffff, v2;
	v18 =	vadd.s32 v7, v16;
	v13 =	vshll.u32 v15, $0x4  }
0xc6: {  	s18 =	sand.u32 $0x1C00, s15;
	s19 =	sshll.u32 s16, $0x1;
	s17 =	sand.u32 $0x2000, s17;
	[tilespmem:v10+s9+$0x0] =	vst.idx.add.f32.msk $0xffff, v2;
	v19 =	vadd.s32 v8, v13  }
0xc7: {  	s19 =	sand.u32 $0x380, s19;
	s17 =	sor.u32 s18, s17;
	[tilespmem:v11+s9+$0x0] =	vst.idx.add.f32.msk $0xffff, v2  }
0xc8: {  	s17 =	sor.u32 s19, s17;
	[tilespmem:v12+s9+$0x0] =	vst.idx.add.f32.msk $0xffff, v2  }
0xc9: {  	v10 =	vld [tilespmem:s17+$0x4070]  }
0xca: {  	v11 =	vld [tilespmem:s17+$0x4000]  }
0xcb: {  	v12 =	vld [tilespmem:s17+$0x4010]  }
0xcc: {  	v20 =	vld [tilespmem:s17+$0x4020]  }
0xcd: {  	v21 =	vld [tilespmem:s17+$0x4030]  }
0xce: {  	v22 =	vld [tilespmem:s17+$0x4040];
	v10 =	vshll.u32 v10, $0x4  }
.Ltmp1:
0xcf: {  	v11 =	vshll.u32 v11, $0x4;
	v16 =	vld [tilespmem:s17+$0x4050];
	v14 =	vadd.s32 v9, v10;
	(pc) =	sbr.rel @p0 .LBB2_4-.Ltmp1, $4  }
0xd0: {  	v13 =	vor.u32 v0, v11;
	v10 =	vshll.u32 v12, $0x4;
	v15 =	vld [tilespmem:s17+$0x4060]  }
0xd1: {  	v10 =	vadd.s32 v3, v10;
	v11 =	vshll.u32 v20, $0x4;
	[tilespmem:v17+s9+$0x0] =	vst.idx.add.f32.msk $0xffff, v2  }
0xd2: {  	v11 =	vadd.s32 v4, v11;
	v12 =	vshll.u32 v21, $0x4;
	[tilespmem:v18+s9+$0x0] =	vst.idx.add.f32.msk $0xffff, v2  }
0xd3: {  	v12 =	vadd.s32 v5, v12;
	v17 =	vshll.u32 v22, $0x4;
	[tilespmem:v19+s9+$0x0] =	vst.idx.add.f32.msk $0xffff, v2  }
0xd4: {  	_ =	sdelay $0x3  }
0xd5: {  	v17 =	vadd.s32 v6, v17;
	v16 =	vshll.u32 v16, $0x4;
	[tilespmem:v14+s9+$0x0] =	vst.idx.add.f32.msk $0xffff, v2  }
0xd6: {  	[tilespmem:v13+s9+$0x0] =	vst.idx.add.f32.msk $0xffff, v2;
	v62 =	vadd.s32 v7, v16;
	v63 =	vshll.u32 v15, $0x4  }
0xd7: {  	[tilespmem:v10+s9+$0x0] =	vst.idx.add.f32.msk $0xffff, v2;
	v10 =	vadd.s32 v8, v63  }
0xd8: {  	[tilespmem:v11+s9+$0x0] =	vst.idx.add.f32.msk $0xffff, v2  }
0xd9: {  	[tilespmem:v12+s9+$0x0] =	vst.idx.add.f32.msk $0xffff, v2  }
0xda: {  	s14 =	sadd.s32 $0x1, s14;
	[tilespmem:v17+s9+$0x0] =	vst.idx.add.f32.msk $0xffff, v2  }
0xdb: {  	p0 =	sne.s32 s14, s6;
	[tilespmem:v62+s9+$0x0] =	vst.idx.add.f32.msk $0xffff, v2  }
.Ltmp2:
0xdc: {  	[tilespmem:v10+s9+$0x0] =	vst.idx.add.f32.msk $0xffff, v2;
	(pc) =	sbr.rel @p0 .LBB2_1-.Ltmp2, $4  }
0xdd: {  	[hbm4b:s5+s11] =	stream.strided.scatter [tilespmem:s9], [sflag:$0x3], $0x800, s12, s11, $0x38;
	[tilespmem:$0x8800] =	vst v63  }
0xde: {  	_ =	swait.ge [sflag:s13], $0x800  }
0xdf: {  	[sflag:s13] =	ssyncset.done $0x0  }
0xe0: {  	[sflag:s13] =	ssyncadd.s32 $0xFFFFF800  }
0xe1: {  	_ =	sfence.sel $0x180000  }
0xe2: {  	[bflag:$0x0] =	sbarrier.arrive $0xFFFF  }
0xe3: {  	p0 =	sne.s32 s1, $0x0;
	_ =	strace $0x90000047  }
0xe4: {  	s0 =	sadd.s32 @!p0 $0x100000, s0;
	[bflag:$0x2] =	sbarrier.arrive $0xFFFF  }
0xe5: {  	[sflag:s0] =	ssyncadd.tile.s32 @!p0 $0x1;
	_ =	shalt  }
.Lfunc_end2:
_tile_overlayer_lowered:
.L_overlay_start_2:
0xe6: {  	(tag) =	ssettag $0x2  }
0xe7: {  	s0 =	rddreg [dreg:$0x0];
	s2 =	stileid.u32  }
0xe8: {  	s1 =	rddreg [dreg:$0x1];
	p0 =	sne.s32 s2, $0x0  }
0xe9: {  	s3 =	rddreg [dreg:$0x2];
	[bflag:$0x3] =	sbarrier.arrive $0xFFFF;
	s2 =	simm.s32 @!p0 $0x1C03  }
0xea: {  	[timem:s3], [sflag:s2] =	dma.local @!p0 [hbm:s0], s1  }
0xeb: {  	s0 =	simm.s32 @!p0 $0x3  }
0xec: {  	_ =	swait.ge @!p0 [sflag:s0], s1  }
0xed: {  	s1 =	ssub.s32 @!p0 $0x0, s1;
	[sflag:s0] =	ssyncset.done @!p0 $0x0  }
0xee: {  	[sflag:s0] =	ssyncadd.s32 @!p0 s1  }
0xef: {  	[bflag:$0x3] =	sbarrier.arrive $0xFFFF  }
0xf0: {  	_ =	shalt  }

</sc_bundles>
